<compile_context>
chip_gen: v7x
topology: tpu7x:2x2x1
jax: 0.10.2.dev20260603
libtpu: 0.0.44.dev20260713+nightly
codegen_flags: <defaults>
</compile_context>

<pallas_src>
import jax
import jax.numpy as jnp
from jax import lax
from jax.experimental import pallas as pl
from jax.experimental.pallas import tpu as pltpu
from jax.experimental.pallas import tpu_sc as plsc

N_NODES = 50000
E_REAL = 800000
NW = 32
EW = E_REAL // NW
CB = 1000
CBP = 1008
NCHUNK = EW // CB
NACC = 50048
RT = NACC // 16
TB = 400
EB = TB * 8
NT = 2000

_MESH = plsc.VectorSubcoreMesh(core_axis_name="c", subcore_axis_name="s")
_SC_PARAMS = pltpu.CompilerParams(use_tc_tiling_on_sc=False,
                                  needs_layout_passes=False)


def _leaky(x):
    return jnp.where(x >= 0, x, 0.01 * x)


def _splat(c):
    return jnp.full((16,), c, jnp.int32)



def _t0_body(h8_ref, w4_ref, gh_ref):
    gh_ref[...] = jnp.dot(h8_ref[...], w4_ref[...],
                          preferred_element_type=jnp.float32)


def _t1_body(hsd_ref, w1_ref, bias_ref, b2_ref, w2_ref, exrm_ref):
    f_tmp = (jnp.dot(hsd_ref[...], w1_ref[...],
                     preferred_element_type=jnp.float32)
             + bias_ref[...])
    f_out = _leaky(f_tmp)
    red = jnp.dot(f_out, w2_ref[...], preferred_element_type=jnp.float32)
    red = red + b2_ref[...]
    col = lax.broadcasted_iota(jnp.int32, (TB, 128), 1)
    exrm_ref[...] = jnp.where(col % 16 < 4, jnp.exp(red), red)


def _t2_body(dp_ref, out_ref):
    out_ref[...] = 1.0 / (dp_ref[0] + dp_ref[1] + 1e-16)


def _t3_body(pp_ref, out_ref):
    out_ref[...] = pp_ref[0] + pp_ref[1]



def _s1_body(h16s, h16d, srcg, dstg, distf, istf, hsd_out,
             idxs_v, idxd_v, hsb, dch, ich, sem):
    wid = lax.axis_index("c") * 16 + lax.axis_index("s")
    iota = lax.iota(jnp.int32, 16)

    def chunk(jc, carry):
        base = wid * EW + jc * CB
        pltpu.sync_copy(srcg.at[pl.ds(base, CB)], idxs_v)
        pltpu.sync_copy(dstg.at[pl.ds(base, CB)], idxd_v)
        pltpu.sync_copy(distf.at[pl.ds(base, CB)], dch.at[pl.ds(0, CB)])
        pltpu.sync_copy(istf.at[pl.ds(base, CB)], ich.at[pl.ds(0, CB)])
        pltpu.async_copy(h16s.at[idxs_v], hsb.at[pl.ds(0, CB)], sem).wait()
        pltpu.async_copy(h16d.at[idxd_v], hsb.at[pl.ds(0, CB)], sem,
                         add=True).wait()

        def grp(g, c2):
            e16 = g * 16 + iota
            dv = plsc.load_gather(dch, [e16])
            iv = plsc.load_gather(ich, [e16]).astype(jnp.float32)
            plsc.store_scatter(hsb, [e16, _splat(3)], dv)
            plsc.store_scatter(hsb, [e16, _splat(11)], iv)
            return c2

        lax.fori_loop(0, CBP // 16, grp, 0)
        pltpu.sync_copy(hsb.at[pl.ds(0, CB)], hsd_out.at[pl.ds(base, CB)])
        return carry

    lax.fori_loop(0, NCHUNK, chunk, 0)


def _s2_body(dstg, exrm, zeros16, dp_out, idxd_v, exb, shared):
    cid = lax.axis_index("c")
    sid = lax.axis_index("s")
    wid = cid * 16 + sid
    pltpu.sync_copy(zeros16.at[pl.ds(sid * RT, RT)],
                    shared.at[pl.ds(sid * RT, RT)])
    plsc.subcore_barrier()

    def chunk(jc, carry):
        base = wid * EW + jc * CB
        pltpu.sync_copy(dstg.at[pl.ds(base, CB)], idxd_v)
        pltpu.sync_copy(exrm.at[pl.ds(base, CB)], exb)
        pltpu.sync_copy(exb, shared.at[idxd_v], add=True)
        return carry

    lax.fori_loop(0, NCHUNK, chunk, 0)
    plsc.subcore_barrier()
    pltpu.sync_copy(shared.at[pl.ds(sid * RT, RT)],
                    dp_out.at[cid, pl.ds(sid * RT, RT)])


def _s3_body(srcg, dstg, exrm, dr_hbm, gh_hbm, zeros8, pqp_out,
             idxs_v, idxd_v, exb, drows, ghrows, pqb, shared16, sem):
    cid = lax.axis_index("c")
    sid = lax.axis_index("s")
    wid = cid * 16 + sid
    pltpu.sync_copy(zeros8.at[pl.ds(sid * RT, RT)],
                    shared16.at[pl.ds(sid * RT, RT)])
    plsc.subcore_barrier()
    iota = lax.iota(jnp.int32, 16)

    def chunk(jc, carry):
        base = wid * EW + jc * CB
        pltpu.sync_copy(srcg.at[pl.ds(base, CB)], idxs_v)
        pltpu.sync_copy(dstg.at[pl.ds(base, CB)], idxd_v)
        pltpu.sync_copy(exrm.at[pl.ds(base, CB)], exb.at[pl.ds(0, CB)])
        cp1 = pltpu.async_copy(dr_hbm.at[idxd_v], drows.at[pl.ds(0, CB)], sem)
        cp2 = pltpu.async_copy(gh_hbm.at[idxs_v], ghrows.at[pl.ds(0, CB)], sem)
        cp1.wait()
        cp2.wait()

        def grp(g, c2):
            e16 = g * 16 + iota
            a = [plsc.load_gather(exb, [e16, _splat(h)])
                 * plsc.load_gather(drows, [e16, _splat(h)])
                 for h in range(4)]
            for k in range(4):
                accg = a[0] * plsc.load_gather(ghrows, [e16, _splat(k)])
                acch = a[0] * plsc.load_gather(ghrows, [e16, _splat(16 + k)])
                for h in range(1, 4):
                    accg += a[h] * plsc.load_gather(
                        ghrows, [e16, _splat(h * 4 + k)])
                    acch += a[h] * plsc.load_gather(
                        ghrows, [e16, _splat(16 + h * 4 + k)])
                plsc.store_scatter(pqb, [e16, _splat(k)], accg)
                plsc.store_scatter(pqb, [e16, _splat(4 + k)], acch)
            return c2

        lax.fori_loop(0, CBP // 16, grp, 0)
        pltpu.sync_copy(pqb.at[pl.ds(0, CB)], shared16.at[idxd_v], add=True)
        return carry

    lax.fori_loop(0, NCHUNK, chunk, 0)
    plsc.subcore_barrier()
    pltpu.sync_copy(shared16.at[pl.ds(sid * RT, RT)],
                    pqp_out.at[cid, pl.ds(sid * RT, RT)])


def _s4_body(srcg, dstg, exrm, pq_hbm, out_hbm,
             idxs_v, idxd_v, exb, pqs, pqd, outb, sem):
    wid = lax.axis_index("c") * 16 + lax.axis_index("s")
    iota = lax.iota(jnp.int32, 16)

    def chunk(jc, carry):
        base = wid * EW + jc * CB
        pltpu.sync_copy(srcg.at[pl.ds(base, CB)], idxs_v)
        pltpu.sync_copy(dstg.at[pl.ds(base, CB)], idxd_v)
        pltpu.sync_copy(exrm.at[pl.ds(base, CB)], exb.at[pl.ds(0, CB)])
        cp1 = pltpu.async_copy(pq_hbm.at[idxs_v], pqs.at[pl.ds(0, CB)], sem)
        cp2 = pltpu.async_copy(pq_hbm.at[idxd_v], pqd.at[pl.ds(0, CB)], sem)
        cp1.wait()
        cp2.wait()

        def grp(g, c2):
            e16 = g * 16 + iota
            acc = jnp.zeros((16,), jnp.float32)
            for k in range(4):
                x = (plsc.load_gather(pqs, [e16, _splat(k)])
                     + plsc.load_gather(pqd, [e16, _splat(4 + k)])
                     + plsc.load_gather(exb, [e16, _splat(4 + k)]))
                acc += jnp.maximum(x, 0.0) + 0.01 * jnp.minimum(x, 0.0)
            plsc.store_scatter(outb, [e16], acc)
            return c2

        lax.fori_loop(0, CBP // 16, grp, 0)
        pltpu.sync_copy(outb.at[pl.ds(0, CB)], out_hbm.at[pl.ds(base, CB)])
        return carry

    lax.fori_loop(0, NCHUNK, chunk, 0)



def kernel(node_feature, edge_index, distance, is_same_team, Wd, bd, emb,
           W_ni1, W_fij1, W_nj1, b_e1, attn1, W_node1,
           W_ni2, W_fij2, W_nj2, b_e2, attn2, W_node2):
    E = edge_index.shape[1]
    N = node_feature.shape[0]
    f32 = jnp.float32

    Wf1a = W_fij1[:32]
    Wf1b = W_fij1[32:]
    v1 = (Wd @ Wf1a)[0]
    T = emb @ Wf1b
    bias1 = bd @ Wf1a + b_e1 + T[0]
    dT = T[1] - T[0]
    z4 = jnp.zeros((4, 256), f32)
    Wcat = jnp.concatenate([W_ni1, v1[None], z4, W_nj1, dT[None], z4],
                           axis=0)
    A4 = attn1[0]
    Wred1 = (jnp.eye(4, dtype=f32)[:, None, :] * A4[:, :, None]).reshape(256, 4)
    Wtile = jnp.concatenate([W_fij2] * 4, axis=0) / 16.0
    Wred = jnp.concatenate([Wred1, Wtile, jnp.zeros((256, 8), f32)],
                           axis=1)
    b2row = jnp.concatenate([jnp.zeros((4,), f32), b_e2 / 4.0,
                             jnp.zeros((8,), f32)])
    WG = jnp.einsum('chd,dk->chk', W_node1.reshape(3, 4, 64), W_ni2) / 16.0
    WH = jnp.einsum('chd,dk->chk', W_node1.reshape(3, 4, 64), W_nj2) / 16.0
    W4 = jnp.concatenate([WG.reshape(3, 16), WH.reshape(3, 16)],
                         axis=1)
    W4 = jnp.concatenate([W4, jnp.zeros((5, 32), f32)], axis=0)

    h8 = jnp.pad(node_feature, ((0, 0), (0, 5)))
    h16s = jnp.pad(node_feature, ((0, 0), (0, 13)))
    h16d = jnp.pad(node_feature, ((0, 0), (8, 5)))
    srcg = edge_index[0]
    dstg = edge_index[1]
    distf = distance.reshape(E)
    istf = is_same_team.reshape(E)
    zeros16 = jnp.zeros((NACC, 16), f32)

    gh = pl.pallas_call(
        _t0_body,
        grid=(N // NT,),
        in_specs=[pl.BlockSpec((NT, 8), lambda i: (i, 0)),
                  pl.BlockSpec((8, 32), lambda i: (0, 0))],
        out_specs=pl.BlockSpec((NT, 32), lambda i: (i, 0)),
        out_shape=jax.ShapeDtypeStruct((N, 32), f32),
    )(h8, W4)

    s1 = pl.kernel(
        _s1_body,
        out_type=jax.ShapeDtypeStruct((E, 16), f32),
        mesh=_MESH,
        compiler_params=_SC_PARAMS,
        scratch_types=[
            pltpu.VMEM((CB,), jnp.int32),
            pltpu.VMEM((CB,), jnp.int32),
            pltpu.VMEM((CBP, 16), f32),
            pltpu.VMEM((CBP,), f32),
            pltpu.VMEM((CBP,), jnp.int32),
            pltpu.SemaphoreType.DMA,
        ],
    )
    hsd = s1(h16s, h16d, srcg, dstg, distf, istf)

    eye8 = jnp.eye(8, dtype=f32)
    W1bd = jnp.kron(eye8, Wcat)
    W2bd = jnp.kron(eye8, Wred)
    bias_t = jnp.tile(bias1, 8)[None]
    b2_t = jnp.tile(b2row, 8)[None]
    exrm_w = pl.pallas_call(
        _t1_body,
        grid=(E // EB,),
        in_specs=[
            pl.BlockSpec((TB, 128), lambda i: (i, 0)),
            pl.BlockSpec((128, 2048), lambda i: (0, 0)),
            pl.BlockSpec((1, 2048), lambda i: (0, 0)),
            pl.BlockSpec((1, 128), lambda i: (0, 0)),
            pl.BlockSpec((2048, 128), lambda i: (0, 0)),
        ],
        out_specs=pl.BlockSpec((TB, 128), lambda i: (i, 0)),
        out_shape=jax.ShapeDtypeStruct((E // 8, 128), f32),
    )(hsd.reshape(E // 8, 128), W1bd, bias_t, b2_t, W2bd)
    exrm = exrm_w.reshape(E, 16)

    s2 = pl.kernel(
        _s2_body,
        out_type=jax.ShapeDtypeStruct((2, NACC, 16), f32),
        mesh=_MESH,
        compiler_params=_SC_PARAMS,
        scratch_types=[
            pltpu.VMEM((CB,), jnp.int32),
            pltpu.VMEM((CB, 16), f32),
            pltpu.VMEM_SHARED((NACC, 16), f32),
        ],
    )
    dp = s2(dstg, exrm, zeros16)

    r16 = NACC * 16 // 512
    dr = pl.pallas_call(
        _t2_body,
        in_specs=[pl.BlockSpec((2, r16, 512), lambda: (0, 0, 0))],
        out_specs=pl.BlockSpec((r16, 512), lambda: (0, 0)),
        out_shape=jax.ShapeDtypeStruct((r16, 512), f32),
    )(dp.reshape(2, r16, 512)).reshape(NACC, 16)

    zeros8 = jnp.zeros((NACC, 8), f32)
    s3 = pl.kernel(
        _s3_body,
        out_type=jax.ShapeDtypeStruct((2, NACC, 8), f32),
        mesh=_MESH,
        compiler_params=_SC_PARAMS,
        scratch_types=[
            pltpu.VMEM((CB,), jnp.int32),
            pltpu.VMEM((CB,), jnp.int32),
            pltpu.VMEM((CBP, 16), f32),
            pltpu.VMEM((CBP, 16), f32),
            pltpu.VMEM((CBP, 32), f32),
            pltpu.VMEM((CBP, 8), f32),
            pltpu.VMEM_SHARED((NACC, 8), f32),
            pltpu.SemaphoreType.DMA,
        ],
    )
    pqp = s3(srcg, dstg, exrm, dr, gh, zeros8)

    r8 = NACC * 8 // 512
    pq = pl.pallas_call(
        _t3_body,
        in_specs=[pl.BlockSpec((2, r8, 512), lambda: (0, 0, 0))],
        out_specs=pl.BlockSpec((r8, 512), lambda: (0, 0)),
        out_shape=jax.ShapeDtypeStruct((r8, 512), f32),
    )(pqp.reshape(2, r8, 512)).reshape(NACC, 8)

    s4 = pl.kernel(
        _s4_body,
        out_type=jax.ShapeDtypeStruct((E,), f32),
        mesh=_MESH,
        compiler_params=_SC_PARAMS,
        scratch_types=[
            pltpu.VMEM((CB,), jnp.int32),
            pltpu.VMEM((CB,), jnp.int32),
            pltpu.VMEM((CBP, 16), f32),
            pltpu.VMEM((CBP, 8), f32),
            pltpu.VMEM((CBP, 8), f32),
            pltpu.VMEM((CBP,), f32),
            pltpu.SemaphoreType.DMA,
        ],
    )
    out = s4(srcg, dstg, exrm, pq)
    return out[:, None]

# --- scband reference (transcript-rebuilt; emitter-appended) ---
"""Pipeline reference for scband-nflgraph-model-16965120819608 (READ-ONLY COPY).

The authoritative reference and input builder live on the scoring server;
editing this copy changes nothing except your own understanding.
"""

import jax, jax.numpy as jnp
import numpy as np

N_NODES = 50000
N_EDGES = 800000


def _leaky(x):
    return jnp.where(x >= 0, x, 0.01 * x)


def _egat(h, f, src, dst, W_ni, W_fij, W_nj, b_e, attn, W_node, heads, oe, on):
    # DGL EGATConv semantics
    E = f.shape[0]
    N = h.shape[0]
    f_tmp = (h @ W_ni)[src] + (h @ W_nj)[dst] + f @ W_fij + b_e
    f_out = _leaky(f_tmp).reshape(E, heads, oe)
    e = (f_out * attn).sum(-1)  # [E, heads]
    e_max = jax.ops.segment_max(e, dst, num_segments=N)
    e_max = jax.lax.stop_gradient(e_max)
    ex = jnp.exp(e - e_max[dst])
    denom = jax.ops.segment_sum(ex, dst, num_segments=N)
    a = ex / (denom[dst] + 1e-16)  # edge softmax over incoming edges per dst
    h_src = (h @ W_node).reshape(N, heads, on)
    m = h_src[src] * a[:, :, None]
    h_out = jax.ops.segment_sum(m, dst, num_segments=N)
    return h_out, f_out


def setup_inputs(seed: int = 0) -> dict:
    key = jax.random.key(seed)
    ks = jax.random.split(key, 24)
    inp = {}
    inp["node_feature"] = jax.random.normal(ks[0], (N_NODES, 3), dtype=jnp.float32)
    inp["edge_index"] = jax.random.randint(ks[1], (2, N_EDGES), 0, N_NODES, dtype=jnp.int32)
    inp["distance"] = jax.random.uniform(ks[2], (N_EDGES, 1), dtype=jnp.float32)
    inp["is_same_team"] = jax.random.randint(ks[3], (N_EDGES, 1), 0, 2, dtype=jnp.int32)
    s = 0.1
    # fc_distance: Linear(1, 32); emb_sameteam: Embedding(2, 32)
    inp["Wd"] = jax.random.normal(ks[4], (1, 32), dtype=jnp.float32) * s
    inp["bd"] = jax.random.normal(ks[5], (32,), dtype=jnp.float32) * s
    inp["emb"] = jax.random.normal(ks[6], (2, 32), dtype=jnp.float32) * s
    # egat1: in_node=3, in_edge=64, out_node=64, out_edge=64, heads=4
    inp["W_ni1"] = jax.random.normal(ks[7], (3, 256), dtype=jnp.float32) * s
    inp["W_fij1"] = jax.random.normal(ks[8], (64, 256), dtype=jnp.float32) * s
    inp["W_nj1"] = jax.random.normal(ks[9], (3, 256), dtype=jnp.float32) * s
    inp["b_e1"] = jax.random.normal(ks[10], (256,), dtype=jnp.float32) * s
    inp["attn1"] = jax.random.normal(ks[11], (1, 4, 64), dtype=jnp.float32) * s
    inp["W_node1"] = jax.random.normal(ks[12], (3, 256), dtype=jnp.float32) * s
    # egat2: in_node=64, in_edge=64, out_node=1, out_edge=1, heads=4
    inp["W_ni2"] = jax.random.normal(ks[13], (64, 4), dtype=jnp.float32) * s
    inp["W_fij2"] = jax.random.normal(ks[14], (64, 4), dtype=jnp.float32) * s
    inp["W_nj2"] = jax.random.normal(ks[15], (64, 4), dtype=jnp.float32) * s
    inp["b_e2"] = jax.random.normal(ks[16], (4,), dtype=jnp.float32) * s
    inp["attn2"] = jax.random.normal(ks[17], (1, 4, 1), dtype=jnp.float32) * s
    inp["W_node2"] = jax.random.normal(ks[18], (64, 4), dtype=jnp.float32) * s
    return inp


def reference(node_feature, edge_index, distance, is_same_team, Wd, bd, emb,
              W_ni1, W_fij1, W_nj1, b_e1, attn1, W_node1,
              W_ni2, W_fij2, W_nj2, b_e2, attn2, W_node2):
    src = edge_index[0]
    dst = edge_index[1]
    edge_feats = jnp.concatenate([distance @ Wd + bd, emb[is_same_team[:, 0]]], axis=1)  # [E, 64]
    nf, ef = _egat(node_feature, edge_feats, src, dst,
                   W_ni1, W_fij1, W_nj1, b_e1, attn1, W_node1, 4, 64, 64)
    nf = nf.mean(axis=1)
    ef = ef.mean(axis=1)
    nf2, ef2 = _egat(nf, ef, src, dst,
                     W_ni2, W_fij2, W_nj2, b_e2, attn2, W_node2, 4, 1, 1)
    return ef2.mean(axis=1)  # [E, 1]

if __name__ == "__main__":
    import jax
    _d = setup_inputs()
    print(jax.jit(kernel)(*tuple(_d.values())))

</pallas_src>

<mosaic_0001>
#map = affine_map<(d0, d1) -> (0, 0)>
#map1 = affine_map<(d0, d1) -> (0)>
module attributes {stable_mosaic.version = 14 : i64} {
  func.func @_s1_body(%arg0: i32, %arg1: i32, %arg2: memref<50000x16xf32, #tpu.memory_space<hbm>>, %arg3: memref<50000x16xf32, #tpu.memory_space<hbm>>, %arg4: memref<800000xi32, #tpu.memory_space<hbm>>, %arg5: memref<800000xi32, #tpu.memory_space<hbm>>, %arg6: memref<800000xf32, #tpu.memory_space<hbm>>, %arg7: memref<800000xi32, #tpu.memory_space<hbm>>, %arg8: memref<800000x16xf32, #tpu.memory_space<hbm>>, %arg9: memref<1000xi32, #tpu.memory_space<vmem>>, %arg10: memref<1000xi32, #tpu.memory_space<vmem>>, %arg11: memref<1008x16xf32, #tpu.memory_space<vmem>>, %arg12: memref<1008xf32, #tpu.memory_space<vmem>>, %arg13: memref<1008xi32, #tpu.memory_space<vmem>>, %arg14: memref<!tpu.dma_semaphore, #tpu.memory_space<semaphore_mem>>) attributes {dimension_semantics = [#tpu.dimension_semantics<core_parallel>, #tpu.dimension_semantics<subcore_parallel>], iteration_bounds = array<i64: 2, 16>, scalar_prefetch = 0 : i64, scratch_operands = 6 : i64, tpu.core_type = #tpu.core_type<sc_vector_subcore>, window_params = [{transform_indices = #map}, {transform_indices = #map}, {transform_indices = #map1}, {transform_indices = #map1}, {transform_indices = #map1}, {transform_indices = #map1}, {transform_indices = #map}]} {
    %mul3A = arith.constant 16 : i32
    %mul3A_0 = arith.muli %arg0, %mul3A : i32
    %add3A = arith.addi %mul3A_0, %arg1 : i32
    %iota3A = tpu.iota {dimensions = array<i32: 0>} : vector<16xi32>
    %scan3A = arith.constant 0 : i32
    %scan3A_1 = arith.constant 0 : i32
    %scan3A_2 = arith.constant 25 : i32
    %scan3A_3 = arith.addi %scan3A_1, %scan3A_2 : i32
    %scan3A_4 = arith.constant 1 : i32
    scf.for %scan3A_6 = %scan3A_1 to %scan3A_3 step %scan3A_4  : i32 {
      %mul3A_7 = arith.constant 25000 : i32
      %mul3A_8 = arith.muli %add3A, %mul3A_7 : i32
      %mul3A_9 = arith.constant 1000 : i32
      %mul3A_10 = arith.muli %scan3A_6, %mul3A_9 : i32
      %add3A_11 = arith.addi %mul3A_8, %mul3A_10 : i32
      "tpu.region"() ({
        %run_scoped3A = tpu.sem_alloc : memref<!tpu.dma_semaphore, #tpu.memory_space<semaphore_mem>>
        %dma_start3A_40 = tpu.memref_slice %arg4[%add3A_11] : memref<800000xi32, #tpu.memory_space<hbm>> -> memref<1000xi32, #tpu.memory_space<hbm>>
        %dma_start3A_41 = tpu.memref_slice %arg4[%add3A_11] : memref<800000xi32, #tpu.memory_space<hbm>> -> memref<1000xi32, #tpu.memory_space<hbm>>
        tpu.enqueue_dma source(%dma_start3A_41 : memref<1000xi32, #tpu.memory_space<hbm>>) target(%arg9 : memref<1000xi32, #tpu.memory_space<vmem>>) target_semaphore(%run_scoped3A : memref<!tpu.dma_semaphore, #tpu.memory_space<semaphore_mem>>)
        %dma_wait3A_42 = tpu.memref_slice %arg4[%add3A_11] : memref<800000xi32, #tpu.memory_space<hbm>> -> memref<1000xi32, #tpu.memory_space<hbm>>
        %dma_wait3A_43 = tpu.memref_slice %arg4[%add3A_11] : memref<800000xi32, #tpu.memory_space<hbm>> -> memref<1000xi32, #tpu.memory_space<hbm>>
        tpu.wait_dma2 semaphore(%run_scoped3A : memref<!tpu.dma_semaphore, #tpu.memory_space<semaphore_mem>>) src(%dma_wait3A_43 : memref<1000xi32, #tpu.memory_space<hbm>>) dst(%arg9 : memref<1000xi32, #tpu.memory_space<vmem>>)
        tpu.yield
      }) : () -> ()
      "tpu.region"() ({
        %run_scoped3A = tpu.sem_alloc : memref<!tpu.dma_semaphore, #tpu.memory_space<semaphore_mem>>
        %dma_start3A_40 = tpu.memref_slice %arg5[%add3A_11] : memref<800000xi32, #tpu.memory_space<hbm>> -> memref<1000xi32, #tpu.memory_space<hbm>>
        %dma_start3A_41 = tpu.memref_slice %arg5[%add3A_11] : memref<800000xi32, #tpu.memory_space<hbm>> -> memref<1000xi32, #tpu.memory_space<hbm>>
        tpu.enqueue_dma source(%dma_start3A_41 : memref<1000xi32, #tpu.memory_space<hbm>>) target(%arg10 : memref<1000xi32, #tpu.memory_space<vmem>>) target_semaphore(%run_scoped3A : memref<!tpu.dma_semaphore, #tpu.memory_space<semaphore_mem>>)
        %dma_wait3A_42 = tpu.memref_slice %arg5[%add3A_11] : memref<800000xi32, #tpu.memory_space<hbm>> -> memref<1000xi32, #tpu.memory_space<hbm>>
        %dma_wait3A_43 = tpu.memref_slice %arg5[%add3A_11] : memref<800000xi32, #tpu.memory_space<hbm>> -> memref<1000xi32, #tpu.memory_space<hbm>>
        tpu.wait_dma2 semaphore(%run_scoped3A : memref<!tpu.dma_semaphore, #tpu.memory_space<semaphore_mem>>) src(%dma_wait3A_43 : memref<1000xi32, #tpu.memory_space<hbm>>) dst(%arg10 : memref<1000xi32, #tpu.memory_space<vmem>>)
        tpu.yield
      }) : () -> ()
      "tpu.region"() ({
        %run_scoped3A = tpu.sem_alloc : memref<!tpu.dma_semaphore, #tpu.memory_space<semaphore_mem>>
        %dma_start3A_40 = arith.constant 0 : i32
        %dma_start3A_41 = tpu.memref_slice %arg12[%dma_start3A_40] : memref<1008xf32, #tpu.memory_space<vmem>> -> memref<1000xf32, #tpu.memory_space<vmem>>
        %dma_start3A_42 = tpu.memref_slice %arg6[%add3A_11] : memref<800000xf32, #tpu.memory_space<hbm>> -> memref<1000xf32, #tpu.memory_space<hbm>>
        %dma_start3A_43 = arith.constant 0 : i32
        %dma_start3A_44 = tpu.memref_slice %arg12[%dma_start3A_43] : memref<1008xf32, #tpu.memory_space<vmem>> -> memref<1000xf32, #tpu.memory_space<vmem>>
        %dma_start3A_45 = tpu.memref_slice %arg6[%add3A_11] : memref<800000xf32, #tpu.memory_space<hbm>> -> memref<1000xf32, #tpu.memory_space<hbm>>
        tpu.enqueue_dma source(%dma_start3A_45 : memref<1000xf32, #tpu.memory_space<hbm>>) target(%dma_start3A_44 : memref<1000xf32, #tpu.memory_space<vmem>>) target_semaphore(%run_scoped3A : memref<!tpu.dma_semaphore, #tpu.memory_space<semaphore_mem>>)
        %dma_wait3A_46 = arith.constant 0 : i32
        %dma_wait3A_47 = tpu.memref_slice %arg12[%dma_wait3A_46] : memref<1008xf32, #tpu.memory_space<vmem>> -> memref<1000xf32, #tpu.memory_space<vmem>>
        %dma_wait3A_48 = tpu.memref_slice %arg6[%add3A_11] : memref<800000xf32, #tpu.memory_space<hbm>> -> memref<1000xf32, #tpu.memory_space<hbm>>
        %dma_wait3A_49 = arith.constant 0 : i32
        %dma_wait3A_50 = tpu.memref_slice %arg12[%dma_wait3A_49] : memref<1008xf32, #tpu.memory_space<vmem>> -> memref<1000xf32, #tpu.memory_space<vmem>>
        %dma_wait3A_51 = tpu.memref_slice %arg6[%add3A_11] : memref<800000xf32, #tpu.memory_space<hbm>> -> memref<1000xf32, #tpu.memory_space<hbm>>
        tpu.wait_dma2 semaphore(%run_scoped3A : memref<!tpu.dma_semaphore, #tpu.memory_space<semaphore_mem>>) src(%dma_wait3A_51 : memref<1000xf32, #tpu.memory_space<hbm>>) dst(%dma_wait3A_50 : memref<1000xf32, #tpu.memory_space<vmem>>)
        tpu.yield
      }) : () -> ()
      "tpu.region"() ({
        %run_scoped3A = tpu.sem_alloc : memref<!tpu.dma_semaphore, #tpu.memory_space<semaphore_mem>>
        %dma_start3A_40 = arith.constant 0 : i32
        %dma_start3A_41 = tpu.memref_slice %arg13[%dma_start3A_40] : memref<1008xi32, #tpu.memory_space<vmem>> -> memref<1000xi32, #tpu.memory_space<vmem>>
        %dma_start3A_42 = tpu.memref_slice %arg7[%add3A_11] : memref<800000xi32, #tpu.memory_space<hbm>> -> memref<1000xi32, #tpu.memory_space<hbm>>
        %dma_start3A_43 = arith.constant 0 : i32
        %dma_start3A_44 = tpu.memref_slice %arg13[%dma_start3A_43] : memref<1008xi32, #tpu.memory_space<vmem>> -> memref<1000xi32, #tpu.memory_space<vmem>>
        %dma_start3A_45 = tpu.memref_slice %arg7[%add3A_11] : memref<800000xi32, #tpu.memory_space<hbm>> -> memref<1000xi32, #tpu.memory_space<hbm>>
        tpu.enqueue_dma source(%dma_start3A_45 : memref<1000xi32, #tpu.memory_space<hbm>>) target(%dma_start3A_44 : memref<1000xi32, #tpu.memory_space<vmem>>) target_semaphore(%run_scoped3A : memref<!tpu.dma_semaphore, #tpu.memory_space<semaphore_mem>>)
        %dma_wait3A_46 = arith.constant 0 : i32
        %dma_wait3A_47 = tpu.memref_slice %arg13[%dma_wait3A_46] : memref<1008xi32, #tpu.memory_space<vmem>> -> memref<1000xi32, #tpu.memory_space<vmem>>
        %dma_wait3A_48 = tpu.memref_slice %arg7[%add3A_11] : memref<800000xi32, #tpu.memory_space<hbm>> -> memref<1000xi32, #tpu.memory_space<hbm>>
        %dma_wait3A_49 = arith.constant 0 : i32
        %dma_wait3A_50 = tpu.memref_slice %arg13[%dma_wait3A_49] : memref<1008xi32, #tpu.memory_space<vmem>> -> memref<1000xi32, #tpu.memory_space<vmem>>
        %dma_wait3A_51 = tpu.memref_slice %arg7[%add3A_11] : memref<800000xi32, #tpu.memory_space<hbm>> -> memref<1000xi32, #tpu.memory_space<hbm>>
        tpu.wait_dma2 semaphore(%run_scoped3A : memref<!tpu.dma_semaphore, #tpu.memory_space<semaphore_mem>>) src(%dma_wait3A_51 : memref<1000xi32, #tpu.memory_space<hbm>>) dst(%dma_wait3A_50 : memref<1000xi32, #tpu.memory_space<vmem>>)
        tpu.yield
      }) : () -> ()
      %dma_start3A = arith.constant 0 : i32
      %dma_start3A_12 = arith.constant 0 : i32
      %dma_start3A_13 = tpu.memref_slice %arg11[%dma_start3A, %dma_start3A_12] : memref<1008x16xf32, #tpu.memory_space<vmem>> -> memref<1000x16xf32, #tpu.memory_space<vmem>>
      %dma_start3A_14 = arith.constant 0 : i32
      %dma_start3A_15 = arith.constant 0 : i32
      %dma_start3A_16 = tpu.memref_slice %arg2[%dma_start3A_14, %dma_start3A_15] : memref<50000x16xf32, #tpu.memory_space<hbm>> -> memref<50000x16xf32, #tpu.memory_space<hbm>>
      tpu.enqueue_indirect_dma source(%dma_start3A_16 : memref<50000x16xf32, #tpu.memory_space<hbm>>) target(%dma_start3A_13 : memref<1000x16xf32, #tpu.memory_space<vmem>>) offsets(%arg9 : memref<1000xi32, #tpu.memory_space<vmem>>) semaphore(%arg14 : memref<!tpu.dma_semaphore, #tpu.memory_space<semaphore_mem>>)
      %dma_wait3A = arith.constant 0 : i32
      %dma_wait3A_17 = arith.constant 0 : i32
      %dma_wait3A_18 = tpu.memref_slice %arg11[%dma_wait3A, %dma_wait3A_17] : memref<1008x16xf32, #tpu.memory_space<vmem>> -> memref<1000x16xf32, #tpu.memory_space<vmem>>
      %dma_wait3A_19 = arith.constant 0 : i32
      %dma_wait3A_20 = arith.constant 0 : i32
      %dma_wait3A_21 = tpu.memref_slice %arg2[%dma_wait3A_19, %dma_wait3A_20] : memref<50000x16xf32, #tpu.memory_space<hbm>> -> memref<50000x16xf32, #tpu.memory_space<hbm>>
      tpu.wait_indirect_dma semaphore(%arg14 : memref<!tpu.dma_semaphore, #tpu.memory_space<semaphore_mem>>) src(%dma_wait3A_21 : memref<50000x16xf32, #tpu.memory_space<hbm>>) dst(%dma_wait3A_18 : memref<1000x16xf32, #tpu.memory_space<vmem>>)
      %dma_start3A_22 = arith.constant 0 : i32
      %dma_start3A_23 = arith.constant 0 : i32
      %dma_start3A_24 = tpu.memref_slice %arg11[%dma_start3A_22, %dma_start3A_23] : memref<1008x16xf32, #tpu.memory_space<vmem>> -> memref<1000x16xf32, #tpu.memory_space<vmem>>
      %dma_start3A_25 = arith.constant 0 : i32
      %dma_start3A_26 = arith.constant 0 : i32
      %dma_start3A_27 = tpu.memref_slice %arg3[%dma_start3A_25, %dma_start3A_26] : memref<50000x16xf32, #tpu.memory_space<hbm>> -> memref<50000x16xf32, #tpu.memory_space<hbm>>
      tpu.enqueue_indirect_dma source(%dma_start3A_27 : memref<50000x16xf32, #tpu.memory_space<hbm>>) target(%dma_start3A_24 : memref<1000x16xf32, #tpu.memory_space<vmem>>) offsets(%arg10 : memref<1000xi32, #tpu.memory_space<vmem>>) semaphore(%arg14 : memref<!tpu.dma_semaphore, #tpu.memory_space<semaphore_mem>>) {add = true}
      %dma_wait3A_28 = arith.constant 0 : i32
      %dma_wait3A_29 = arith.constant 0 : i32
      %dma_wait3A_30 = tpu.memref_slice %arg11[%dma_wait3A_28, %dma_wait3A_29] : memref<1008x16xf32, #tpu.memory_space<vmem>> -> memref<1000x16xf32, #tpu.memory_space<vmem>>
      %dma_wait3A_31 = arith.constant 0 : i32
      %dma_wait3A_32 = arith.constant 0 : i32
      %dma_wait3A_33 = tpu.memref_slice %arg3[%dma_wait3A_31, %dma_wait3A_32] : memref<50000x16xf32, #tpu.memory_space<hbm>> -> memref<50000x16xf32, #tpu.memory_space<hbm>>
      tpu.wait_indirect_dma semaphore(%arg14 : memref<!tpu.dma_semaphore, #tpu.memory_space<semaphore_mem>>) src(%dma_wait3A_33 : memref<50000x16xf32, #tpu.memory_space<hbm>>) dst(%dma_wait3A_30 : memref<1000x16xf32, #tpu.memory_space<vmem>>)
      %scan3A_34 = arith.constant 0 : i32
      %scan3A_35 = arith.constant 0 : i32
      %scan3A_36 = arith.constant 63 : i32
      %scan3A_37 = arith.addi %scan3A_35, %scan3A_36 : i32
      %scan3A_38 = arith.constant 1 : i32
      scf.for %scan3A_40 = %scan3A_35 to %scan3A_37 step %scan3A_38  : i32 {
        %mul3A_41 = arith.constant 16 : i32
        %mul3A_42 = arith.muli %scan3A_40, %mul3A_41 : i32
        %add3A_43 = vector.broadcast %mul3A_42 : i32 to vector<16xi32>
        %add3A_44 = arith.addi %add3A_43, %iota3A : vector<16xi32>
        %gather3A = tpu.vector_load_idx %arg12[%add3A_44] : memref<1008xf32, #tpu.memory_space<vmem>>[vector<16xi32>], vector<16xf32>,
        %gather3A_45 = tpu.vector_load_idx %arg13[%add3A_44] : memref<1008xi32, #tpu.memory_space<vmem>>[vector<16xi32>], vector<16xi32>,
        %convert_element_type3A = arith.sitofp %gather3A_45 : vector<16xi32> to vector<16xf32>
        %broadcast_in_dim3A = arith.constant 3 : i32
        %broadcast_in_dim3A_46 = vector.broadcast %broadcast_in_dim3A : i32 to vector<16xi32>
        tpu.vector_store_idx %arg11[%add3A_44, %broadcast_in_dim3A_46], %gather3A : memref<1008x16xf32, #tpu.memory_space<vmem>>[vector<16xi32>, vector<16xi32>], vector<16xf32>,
        %broadcast_in_dim3A_47 = arith.constant 11 : i32
        %broadcast_in_dim3A_48 = vector.broadcast %broadcast_in_dim3A_47 : i32 to vector<16xi32>
        tpu.vector_store_idx %arg11[%add3A_44, %broadcast_in_dim3A_48], %convert_element_type3A : memref<1008x16xf32, #tpu.memory_space<vmem>>[vector<16xi32>, vector<16xi32>], vector<16xf32>,
      }
      %scan3A_39 = arith.constant 63 : i32
      "tpu.region"() ({
        %run_scoped3A = tpu.sem_alloc : memref<!tpu.dma_semaphore, #tpu.memory_space<semaphore_mem>>
        %dma_start3A_40 = arith.constant 0 : i32
        %dma_start3A_41 = arith.constant 0 : i32
        %dma_start3A_42 = tpu.memref_slice %arg11[%dma_start3A_40, %dma_start3A_41] : memref<1008x16xf32, #tpu.memory_space<vmem>> -> memref<1000x16xf32, #tpu.memory_space<vmem>>
        %dma_start3A_43 = arith.constant 0 : i32
        %dma_start3A_44 = tpu.memref_slice %arg8[%add3A_11, %dma_start3A_43] : memref<800000x16xf32, #tpu.memory_space<hbm>> -> memref<1000x16xf32, #tpu.memory_space<hbm>>
        %dma_start3A_45 = arith.constant 0 : i32
        %dma_start3A_46 = tpu.memref_slice %arg8[%add3A_11, %dma_start3A_45] : memref<800000x16xf32, #tpu.memory_space<hbm>> -> memref<1000x16xf32, #tpu.memory_space<hbm>>
        %dma_start3A_47 = arith.constant 0 : i32
        %dma_start3A_48 = arith.constant 0 : i32
        %dma_start3A_49 = tpu.memref_slice %arg11[%dma_start3A_47, %dma_start3A_48] : memref<1008x16xf32, #tpu.memory_space<vmem>> -> memref<1000x16xf32, #tpu.memory_space<vmem>>
        tpu.enqueue_dma source(%dma_start3A_49 : memref<1000x16xf32, #tpu.memory_space<vmem>>) target(%dma_start3A_46 : memref<1000x16xf32, #tpu.memory_space<hbm>>) target_semaphore(%run_scoped3A : memref<!tpu.dma_semaphore, #tpu.memory_space<semaphore_mem>>)
        %dma_wait3A_50 = arith.constant 0 : i32
        %dma_wait3A_51 = arith.constant 0 : i32
        %dma_wait3A_52 = tpu.memref_slice %arg11[%dma_wait3A_50, %dma_wait3A_51] : memref<1008x16xf32, #tpu.memory_space<vmem>> -> memref<1000x16xf32, #tpu.memory_space<vmem>>
        %dma_wait3A_53 = arith.constant 0 : i32
        %dma_wait3A_54 = tpu.memref_slice %arg8[%add3A_11, %dma_wait3A_53] : memref<800000x16xf32, #tpu.memory_space<hbm>> -> memref<1000x16xf32, #tpu.memory_space<hbm>>
        %dma_wait3A_55 = arith.constant 0 : i32
        %dma_wait3A_56 = tpu.memref_slice %arg8[%add3A_11, %dma_wait3A_55] : memref<800000x16xf32, #tpu.memory_space<hbm>> -> memref<1000x16xf32, #tpu.memory_space<hbm>>
        %dma_wait3A_57 = arith.constant 0 : i32
        %dma_wait3A_58 = arith.constant 0 : i32
        %dma_wait3A_59 = tpu.memref_slice %arg11[%dma_wait3A_57, %dma_wait3A_58] : memref<1008x16xf32, #tpu.memory_space<vmem>> -> memref<1000x16xf32, #tpu.memory_space<vmem>>
        tpu.wait_dma2 semaphore(%run_scoped3A : memref<!tpu.dma_semaphore, #tpu.memory_space<semaphore_mem>>) src(%dma_wait3A_59 : memref<1000x16xf32, #tpu.memory_space<vmem>>) dst(%dma_wait3A_56 : memref<1000x16xf32, #tpu.memory_space<hbm>>)
        tpu.yield
      }) : () -> ()
    }
    %scan3A_5 = arith.constant 25 : i32
    return
  }
}

#map = affine_map<(d0, d1) -> (0)>
#map1 = affine_map<(d0, d1) -> (0, 0)>
module attributes {stable_mosaic.version = 14 : i64} {
  func.func @_s4_body(%arg0: i32, %arg1: i32, %arg2: memref<800000xi32, #tpu.memory_space<hbm>>, %arg3: memref<800000xi32, #tpu.memory_space<hbm>>, %arg4: memref<800000x16xf32, #tpu.memory_space<hbm>>, %arg5: memref<50048x8xf32, #tpu.memory_space<hbm>>, %arg6: memref<800000xf32, #tpu.memory_space<hbm>>, %arg7: memref<1000xi32, #tpu.memory_space<vmem>>, %arg8: memref<1000xi32, #tpu.memory_space<vmem>>, %arg9: memref<1008x16xf32, #tpu.memory_space<vmem>>, %arg10: memref<1008x8xf32, #tpu.memory_space<vmem>>, %arg11: memref<1008x8xf32, #tpu.memory_space<vmem>>, %arg12: memref<1008xf32, #tpu.memory_space<vmem>>, %arg13: memref<!tpu.dma_semaphore, #tpu.memory_space<semaphore_mem>>) attributes {dimension_semantics = [#tpu.dimension_semantics<core_parallel>, #tpu.dimension_semantics<subcore_parallel>], iteration_bounds = array<i64: 2, 16>, scalar_prefetch = 0 : i64, scratch_operands = 7 : i64, tpu.core_type = #tpu.core_type<sc_vector_subcore>, window_params = [{transform_indices = #map}, {transform_indices = #map}, {transform_indices = #map1}, {transform_indices = #map1}, {transform_indices = #map}]} {
    %mul3A = arith.constant 16 : i32
    %mul3A_0 = arith.muli %arg0, %mul3A : i32
    %add3A = arith.addi %mul3A_0, %arg1 : i32
    %iota3A = tpu.iota {dimensions = array<i32: 0>} : vector<16xi32>
    %scan3A = arith.constant 0 : i32
    %scan3A_1 = arith.constant 0 : i32
    %scan3A_2 = arith.constant 25 : i32
    %scan3A_3 = arith.addi %scan3A_1, %scan3A_2 : i32
    %scan3A_4 = arith.constant 1 : i32
    scf.for %scan3A_6 = %scan3A_1 to %scan3A_3 step %scan3A_4  : i32 {
      %mul3A_7 = arith.constant 25000 : i32
      %mul3A_8 = arith.muli %add3A, %mul3A_7 : i32
      %mul3A_9 = arith.constant 1000 : i32
      %mul3A_10 = arith.muli %scan3A_6, %mul3A_9 : i32
      %add3A_11 = arith.addi %mul3A_8, %mul3A_10 : i32
      "tpu.region"() ({
        %run_scoped3A = tpu.sem_alloc : memref<!tpu.dma_semaphore, #tpu.memory_space<semaphore_mem>>
        %dma_start3A_40 = tpu.memref_slice %arg2[%add3A_11] : memref<800000xi32, #tpu.memory_space<hbm>> -> memref<1000xi32, #tpu.memory_space<hbm>>
        %dma_start3A_41 = tpu.memref_slice %arg2[%add3A_11] : memref<800000xi32, #tpu.memory_space<hbm>> -> memref<1000xi32, #tpu.memory_space<hbm>>
        tpu.enqueue_dma source(%dma_start3A_41 : memref<1000xi32, #tpu.memory_space<hbm>>) target(%arg7 : memref<1000xi32, #tpu.memory_space<vmem>>) target_semaphore(%run_scoped3A : memref<!tpu.dma_semaphore, #tpu.memory_space<semaphore_mem>>)
        %dma_wait3A_42 = tpu.memref_slice %arg2[%add3A_11] : memref<800000xi32, #tpu.memory_space<hbm>> -> memref<1000xi32, #tpu.memory_space<hbm>>
        %dma_wait3A_43 = tpu.memref_slice %arg2[%add3A_11] : memref<800000xi32, #tpu.memory_space<hbm>> -> memref<1000xi32, #tpu.memory_space<hbm>>
        tpu.wait_dma2 semaphore(%run_scoped3A : memref<!tpu.dma_semaphore, #tpu.memory_space<semaphore_mem>>) src(%dma_wait3A_43 : memref<1000xi32, #tpu.memory_space<hbm>>) dst(%arg7 : memref<1000xi32, #tpu.memory_space<vmem>>)
        tpu.yield
      }) : () -> ()
      "tpu.region"() ({
        %run_scoped3A = tpu.sem_alloc : memref<!tpu.dma_semaphore, #tpu.memory_space<semaphore_mem>>
        %dma_start3A_40 = tpu.memref_slice %arg3[%add3A_11] : memref<800000xi32, #tpu.memory_space<hbm>> -> memref<1000xi32, #tpu.memory_space<hbm>>
        %dma_start3A_41 = tpu.memref_slice %arg3[%add3A_11] : memref<800000xi32, #tpu.memory_space<hbm>> -> memref<1000xi32, #tpu.memory_space<hbm>>
        tpu.enqueue_dma source(%dma_start3A_41 : memref<1000xi32, #tpu.memory_space<hbm>>) target(%arg8 : memref<1000xi32, #tpu.memory_space<vmem>>) target_semaphore(%run_scoped3A : memref<!tpu.dma_semaphore, #tpu.memory_space<semaphore_mem>>)
        %dma_wait3A_42 = tpu.memref_slice %arg3[%add3A_11] : memref<800000xi32, #tpu.memory_space<hbm>> -> memref<1000xi32, #tpu.memory_space<hbm>>
        %dma_wait3A_43 = tpu.memref_slice %arg3[%add3A_11] : memref<800000xi32, #tpu.memory_space<hbm>> -> memref<1000xi32, #tpu.memory_space<hbm>>
        tpu.wait_dma2 semaphore(%run_scoped3A : memref<!tpu.dma_semaphore, #tpu.memory_space<semaphore_mem>>) src(%dma_wait3A_43 : memref<1000xi32, #tpu.memory_space<hbm>>) dst(%arg8 : memref<1000xi32, #tpu.memory_space<vmem>>)
        tpu.yield
      }) : () -> ()
      "tpu.region"() ({
        %run_scoped3A = tpu.sem_alloc : memref<!tpu.dma_semaphore, #tpu.memory_space<semaphore_mem>>
        %dma_start3A_40 = arith.constant 0 : i32
        %dma_start3A_41 = arith.constant 0 : i32
        %dma_start3A_42 = tpu.memref_slice %arg9[%dma_start3A_40, %dma_start3A_41] : memref<1008x16xf32, #tpu.memory_space<vmem>> -> memref<1000x16xf32, #tpu.memory_space<vmem>>
        %dma_start3A_43 = arith.constant 0 : i32
        %dma_start3A_44 = tpu.memref_slice %arg4[%add3A_11, %dma_start3A_43] : memref<800000x16xf32, #tpu.memory_space<hbm>> -> memref<1000x16xf32, #tpu.memory_space<hbm>>
        %dma_start3A_45 = arith.constant 0 : i32
        %dma_start3A_46 = arith.constant 0 : i32
        %dma_start3A_47 = tpu.memref_slice %arg9[%dma_start3A_45, %dma_start3A_46] : memref<1008x16xf32, #tpu.memory_space<vmem>> -> memref<1000x16xf32, #tpu.memory_space<vmem>>
        %dma_start3A_48 = arith.constant 0 : i32
        %dma_start3A_49 = tpu.memref_slice %arg4[%add3A_11, %dma_start3A_48] : memref<800000x16xf32, #tpu.memory_space<hbm>> -> memref<1000x16xf32, #tpu.memory_space<hbm>>
        tpu.enqueue_dma source(%dma_start3A_49 : memref<1000x16xf32, #tpu.memory_space<hbm>>) target(%dma_start3A_47 : memref<1000x16xf32, #tpu.memory_space<vmem>>) target_semaphore(%run_scoped3A : memref<!tpu.dma_semaphore, #tpu.memory_space<semaphore_mem>>)
        %dma_wait3A_50 = arith.constant 0 : i32
        %dma_wait3A_51 = arith.constant 0 : i32
        %dma_wait3A_52 = tpu.memref_slice %arg9[%dma_wait3A_50, %dma_wait3A_51] : memref<1008x16xf32, #tpu.memory_space<vmem>> -> memref<1000x16xf32, #tpu.memory_space<vmem>>
        %dma_wait3A_53 = arith.constant 0 : i32
        %dma_wait3A_54 = tpu.memref_slice %arg4[%add3A_11, %dma_wait3A_53] : memref<800000x16xf32, #tpu.memory_space<hbm>> -> memref<1000x16xf32, #tpu.memory_space<hbm>>
        %dma_wait3A_55 = arith.constant 0 : i32
        %dma_wait3A_56 = arith.constant 0 : i32
        %dma_wait3A_57 = tpu.memref_slice %arg9[%dma_wait3A_55, %dma_wait3A_56] : memref<1008x16xf32, #tpu.memory_space<vmem>> -> memref<1000x16xf32, #tpu.memory_space<vmem>>
        %dma_wait3A_58 = arith.constant 0 : i32
        %dma_wait3A_59 = tpu.memref_slice %arg4[%add3A_11, %dma_wait3A_58] : memref<800000x16xf32, #tpu.memory_space<hbm>> -> memref<1000x16xf32, #tpu.memory_space<hbm>>
        tpu.wait_dma2 semaphore(%run_scoped3A : memref<!tpu.dma_semaphore, #tpu.memory_space<semaphore_mem>>) src(%dma_wait3A_59 : memref<1000x16xf32, #tpu.memory_space<hbm>>) dst(%dma_wait3A_57 : memref<1000x16xf32, #tpu.memory_space<vmem>>)
        tpu.yield
      }) : () -> ()
      %dma_start3A = arith.constant 0 : i32
      %dma_start3A_12 = arith.constant 0 : i32
      %dma_start3A_13 = tpu.memref_slice %arg10[%dma_start3A, %dma_start3A_12] : memref<1008x8xf32, #tpu.memory_space<vmem>> -> memref<1000x8xf32, #tpu.memory_space<vmem>>
      %dma_start3A_14 = arith.constant 0 : i32
      %dma_start3A_15 = arith.constant 0 : i32
      %dma_start3A_16 = tpu.memref_slice %arg5[%dma_start3A_14, %dma_start3A_15] : memref<50048x8xf32, #tpu.memory_space<hbm>> -> memref<50048x8xf32, #tpu.memory_space<hbm>>
      tpu.enqueue_indirect_dma source(%dma_start3A_16 : memref<50048x8xf32, #tpu.memory_space<hbm>>) target(%dma_start3A_13 : memref<1000x8xf32, #tpu.memory_space<vmem>>) offsets(%arg7 : memref<1000xi32, #tpu.memory_space<vmem>>) semaphore(%arg13 : memref<!tpu.dma_semaphore, #tpu.memory_space<semaphore_mem>>)
      %dma_start3A_17 = arith.constant 0 : i32
      %dma_start3A_18 = arith.constant 0 : i32
      %dma_start3A_19 = tpu.memref_slice %arg11[%dma_start3A_17, %dma_start3A_18] : memref<1008x8xf32, #tpu.memory_space<vmem>> -> memref<1000x8xf32, #tpu.memory_space<vmem>>
      %dma_start3A_20 = arith.constant 0 : i32
      %dma_start3A_21 = arith.constant 0 : i32
      %dma_start3A_22 = tpu.memref_slice %arg5[%dma_start3A_20, %dma_start3A_21] : memref<50048x8xf32, #tpu.memory_space<hbm>> -> memref<50048x8xf32, #tpu.memory_space<hbm>>
      tpu.enqueue_indirect_dma source(%dma_start3A_22 : memref<50048x8xf32, #tpu.memory_space<hbm>>) target(%dma_start3A_19 : memref<1000x8xf32, #tpu.memory_space<vmem>>) offsets(%arg8 : memref<1000xi32, #tpu.memory_space<vmem>>) semaphore(%arg13 : memref<!tpu.dma_semaphore, #tpu.memory_space<semaphore_mem>>)
      %dma_wait3A = arith.constant 0 : i32
      %dma_wait3A_23 = arith.constant 0 : i32
      %dma_wait3A_24 = tpu.memref_slice %arg10[%dma_wait3A, %dma_wait3A_23] : memref<1008x8xf32, #tpu.memory_space<vmem>> -> memref<1000x8xf32, #tpu.memory_space<vmem>>
      %dma_wait3A_25 = arith.constant 0 : i32
      %dma_wait3A_26 = arith.constant 0 : i32
      %dma_wait3A_27 = tpu.memref_slice %arg5[%dma_wait3A_25, %dma_wait3A_26] : memref<50048x8xf32, #tpu.memory_space<hbm>> -> memref<50048x8xf32, #tpu.memory_space<hbm>>
      tpu.wait_indirect_dma semaphore(%arg13 : memref<!tpu.dma_semaphore, #tpu.memory_space<semaphore_mem>>) src(%dma_wait3A_27 : memref<50048x8xf32, #tpu.memory_space<hbm>>) dst(%dma_wait3A_24 : memref<1000x8xf32, #tpu.memory_space<vmem>>)
      %dma_wait3A_28 = arith.constant 0 : i32
      %dma_wait3A_29 = arith.constant 0 : i32
      %dma_wait3A_30 = tpu.memref_slice %arg11[%dma_wait3A_28, %dma_wait3A_29] : memref<1008x8xf32, #tpu.memory_space<vmem>> -> memref<1000x8xf32, #tpu.memory_space<vmem>>
      %dma_wait3A_31 = arith.constant 0 : i32
      %dma_wait3A_32 = arith.constant 0 : i32
      %dma_wait3A_33 = tpu.memref_slice %arg5[%dma_wait3A_31, %dma_wait3A_32] : memref<50048x8xf32, #tpu.memory_space<hbm>> -> memref<50048x8xf32, #tpu.memory_space<hbm>>
      tpu.wait_indirect_dma semaphore(%arg13 : memref<!tpu.dma_semaphore, #tpu.memory_space<semaphore_mem>>) src(%dma_wait3A_33 : memref<50048x8xf32, #tpu.memory_space<hbm>>) dst(%dma_wait3A_30 : memref<1000x8xf32, #tpu.memory_space<vmem>>)
      %scan3A_34 = arith.constant 0 : i32
      %scan3A_35 = arith.constant 0 : i32
      %scan3A_36 = arith.constant 63 : i32
      %scan3A_37 = arith.addi %scan3A_35, %scan3A_36 : i32
      %scan3A_38 = arith.constant 1 : i32
      scf.for %scan3A_40 = %scan3A_35 to %scan3A_37 step %scan3A_38  : i32 {
        %mul3A_41 = arith.constant 16 : i32
        %mul3A_42 = arith.muli %scan3A_40, %mul3A_41 : i32
        %add3A_43 = vector.broadcast %mul3A_42 : i32 to vector<16xi32>
        %add3A_44 = arith.addi %add3A_43, %iota3A : vector<16xi32>
        %broadcast_in_dim3A = arith.constant 0.000000e+00 : f32
        %broadcast_in_dim3A_45 = vector.broadcast %broadcast_in_dim3A : f32 to vector<16xf32>
        %broadcast_in_dim3A_46 = arith.constant 0 : i32
        %broadcast_in_dim3A_47 = vector.broadcast %broadcast_in_dim3A_46 : i32 to vector<16xi32>
        %gather3A = tpu.vector_load_idx %arg10[%add3A_44, %broadcast_in_dim3A_47] : memref<1008x8xf32, #tpu.memory_space<vmem>>[vector<16xi32>, vector<16xi32>], vector<16xf32>,
        %broadcast_in_dim3A_48 = arith.constant 4 : i32
        %broadcast_in_dim3A_49 = vector.broadcast %broadcast_in_dim3A_48 : i32 to vector<16xi32>
        %gather3A_50 = tpu.vector_load_idx %arg11[%add3A_44, %broadcast_in_dim3A_49] : memref<1008x8xf32, #tpu.memory_space<vmem>>[vector<16xi32>, vector<16xi32>], vector<16xf32>,
        %add3A_51 = arith.addf %gather3A, %gather3A_50 : vector<16xf32>
        %broadcast_in_dim3A_52 = arith.constant 4 : i32
        %broadcast_in_dim3A_53 = vector.broadcast %broadcast_in_dim3A_52 : i32 to vector<16xi32>
        %gather3A_54 = tpu.vector_load_idx %arg9[%add3A_44, %broadcast_in_dim3A_53] : memref<1008x16xf32, #tpu.memory_space<vmem>>[vector<16xi32>, vector<16xi32>], vector<16xf32>,
        %add3A_55 = arith.addf %add3A_51, %gather3A_54 : vector<16xf32>
        %max3A = arith.constant 0.000000e+00 : f32
        %max3A_56 = vector.broadcast %max3A : f32 to vector<16xf32>
        %max3A_57 = arith.maximumf %add3A_55, %max3A_56 : vector<16xf32>
        %min3A = arith.constant 0.000000e+00 : f32
        %min3A_58 = vector.broadcast %min3A : f32 to vector<16xf32>
        %min3A_59 = arith.minimumf %add3A_55, %min3A_58 : vector<16xf32>
        %mul3A_60 = arith.constant 0.00999999977 : f32
        %mul3A_61 = vector.broadcast %mul3A_60 : f32 to vector<16xf32>
        %mul3A_62 = arith.mulf %mul3A_61, %min3A_59 : vector<16xf32>
        %add3A_63 = arith.addf %max3A_57, %mul3A_62 : vector<16xf32>
        %add3A_64 = arith.addf %broadcast_in_dim3A_45, %add3A_63 : vector<16xf32>
        %broadcast_in_dim3A_65 = arith.constant 1 : i32
        %broadcast_in_dim3A_66 = vector.broadcast %broadcast_in_dim3A_65 : i32 to vector<16xi32>
        %gather3A_67 = tpu.vector_load_idx %arg10[%add3A_44, %broadcast_in_dim3A_66] : memref<1008x8xf32, #tpu.memory_space<vmem>>[vector<16xi32>, vector<16xi32>], vector<16xf32>,
        %broadcast_in_dim3A_68 = arith.constant 5 : i32
        %broadcast_in_dim3A_69 = vector.broadcast %broadcast_in_dim3A_68 : i32 to vector<16xi32>
        %gather3A_70 = tpu.vector_load_idx %arg11[%add3A_44, %broadcast_in_dim3A_69] : memref<1008x8xf32, #tpu.memory_space<vmem>>[vector<16xi32>, vector<16xi32>], vector<16xf32>,
        %add3A_71 = arith.addf %gather3A_67, %gather3A_70 : vector<16xf32>
        %broadcast_in_dim3A_72 = arith.constant 5 : i32
        %broadcast_in_dim3A_73 = vector.broadcast %broadcast_in_dim3A_72 : i32 to vector<16xi32>
        %gather3A_74 = tpu.vector_load_idx %arg9[%add3A_44, %broadcast_in_dim3A_73] : memref<1008x16xf32, #tpu.memory_space<vmem>>[vector<16xi32>, vector<16xi32>], vector<16xf32>,
        %add3A_75 = arith.addf %add3A_71, %gather3A_74 : vector<16xf32>
        %max3A_76 = arith.constant 0.000000e+00 : f32
        %max3A_77 = vector.broadcast %max3A_76 : f32 to vector<16xf32>
        %max3A_78 = arith.maximumf %add3A_75, %max3A_77 : vector<16xf32>
        %min3A_79 = arith.constant 0.000000e+00 : f32
        %min3A_80 = vector.broadcast %min3A_79 : f32 to vector<16xf32>
        %min3A_81 = arith.minimumf %add3A_75, %min3A_80 : vector<16xf32>
        %mul3A_82 = arith.constant 0.00999999977 : f32
        %mul3A_83 = vector.broadcast %mul3A_82 : f32 to vector<16xf32>
        %mul3A_84 = arith.mulf %mul3A_83, %min3A_81 : vector<16xf32>
        %add3A_85 = arith.addf %max3A_78, %mul3A_84 : vector<16xf32>
        %add3A_86 = arith.addf %add3A_64, %add3A_85 : vector<16xf32>
        %broadcast_in_dim3A_87 = arith.constant 2 : i32
        %broadcast_in_dim3A_88 = vector.broadcast %broadcast_in_dim3A_87 : i32 to vector<16xi32>
        %gather3A_89 = tpu.vector_load_idx %arg10[%add3A_44, %broadcast_in_dim3A_88] : memref<1008x8xf32, #tpu.memory_space<vmem>>[vector<16xi32>, vector<16xi32>], vector<16xf32>,
        %broadcast_in_dim3A_90 = arith.constant 6 : i32
        %broadcast_in_dim3A_91 = vector.broadcast %broadcast_in_dim3A_90 : i32 to vector<16xi32>
        %gather3A_92 = tpu.vector_load_idx %arg11[%add3A_44, %broadcast_in_dim3A_91] : memref<1008x8xf32, #tpu.memory_space<vmem>>[vector<16xi32>, vector<16xi32>], vector<16xf32>,
        %add3A_93 = arith.addf %gather3A_89, %gather3A_92 : vector<16xf32>
        %broadcast_in_dim3A_94 = arith.constant 6 : i32
        %broadcast_in_dim3A_95 = vector.broadcast %broadcast_in_dim3A_94 : i32 to vector<16xi32>
        %gather3A_96 = tpu.vector_load_idx %arg9[%add3A_44, %broadcast_in_dim3A_95] : memref<1008x16xf32, #tpu.memory_space<vmem>>[vector<16xi32>, vector<16xi32>], vector<16xf32>,
        %add3A_97 = arith.addf %add3A_93, %gather3A_96 : vector<16xf32>
        %max3A_98 = arith.constant 0.000000e+00 : f32
        %max3A_99 = vector.broadcast %max3A_98 : f32 to vector<16xf32>
        %max3A_100 = arith.maximumf %add3A_97, %max3A_99 : vector<16xf32>
        %min3A_101 = arith.constant 0.000000e+00 : f32
        %min3A_102 = vector.broadcast %min3A_101 : f32 to vector<16xf32>
        %min3A_103 = arith.minimumf %add3A_97, %min3A_102 : vector<16xf32>
        %mul3A_104 = arith.constant 0.00999999977 : f32
        %mul3A_105 = vector.broadcast %mul3A_104 : f32 to vector<16xf32>
        %mul3A_106 = arith.mulf %mul3A_105, %min3A_103 : vector<16xf32>
        %add3A_107 = arith.addf %max3A_100, %mul3A_106 : vector<16xf32>
        %add3A_108 = arith.addf %add3A_86, %add3A_107 : vector<16xf32>
        %broadcast_in_dim3A_109 = arith.constant 3 : i32
        %broadcast_in_dim3A_110 = vector.broadcast %broadcast_in_dim3A_109 : i32 to vector<16xi32>
        %gather3A_111 = tpu.vector_load_idx %arg10[%add3A_44, %broadcast_in_dim3A_110] : memref<1008x8xf32, #tpu.memory_space<vmem>>[vector<16xi32>, vector<16xi32>], vector<16xf32>,
        %broadcast_in_dim3A_112 = arith.constant 7 : i32
        %broadcast_in_dim3A_113 = vector.broadcast %broadcast_in_dim3A_112 : i32 to vector<16xi32>
        %gather3A_114 = tpu.vector_load_idx %arg11[%add3A_44, %broadcast_in_dim3A_113] : memref<1008x8xf32, #tpu.memory_space<vmem>>[vector<16xi32>, vector<16xi32>], vector<16xf32>,
        %add3A_115 = arith.addf %gather3A_111, %gather3A_114 : vector<16xf32>
        %broadcast_in_dim3A_116 = arith.constant 7 : i32
        %broadcast_in_dim3A_117 = vector.broadcast %broadcast_in_dim3A_116 : i32 to vector<16xi32>
        %gather3A_118 = tpu.vector_load_idx %arg9[%add3A_44, %broadcast_in_dim3A_117] : memref<1008x16xf32, #tpu.memory_space<vmem>>[vector<16xi32>, vector<16xi32>], vector<16xf32>,
        %add3A_119 = arith.addf %add3A_115, %gather3A_118 : vector<16xf32>
        %max3A_120 = arith.constant 0.000000e+00 : f32
        %max3A_121 = vector.broadcast %max3A_120 : f32 to vector<16xf32>
        %max3A_122 = arith.maximumf %add3A_119, %max3A_121 : vector<16xf32>
        %min3A_123 = arith.constant 0.000000e+00 : f32
        %min3A_124 = vector.broadcast %min3A_123 : f32 to vector<16xf32>
        %min3A_125 = arith.minimumf %add3A_119, %min3A_124 : vector<16xf32>
        %mul3A_126 = arith.constant 0.00999999977 : f32
        %mul3A_127 = vector.broadcast %mul3A_126 : f32 to vector<16xf32>
        %mul3A_128 = arith.mulf %mul3A_127, %min3A_125 : vector<16xf32>
        %add3A_129 = arith.addf %max3A_122, %mul3A_128 : vector<16xf32>
        %add3A_130 = arith.addf %add3A_108, %add3A_129 : vector<16xf32>
        tpu.vector_store_idx %arg12[%add3A_44], %add3A_130 : memref<1008xf32, #tpu.memory_space<vmem>>[vector<16xi32>], vector<16xf32>,
      }
      %scan3A_39 = arith.constant 63 : i32
      "tpu.region"() ({
        %run_scoped3A = tpu.sem_alloc : memref<!tpu.dma_semaphore, #tpu.memory_space<semaphore_mem>>
        %dma_start3A_40 = arith.constant 0 : i32
        %dma_start3A_41 = tpu.memref_slice %arg12[%dma_start3A_40] : memref<1008xf32, #tpu.memory_space<vmem>> -> memref<1000xf32, #tpu.memory_space<vmem>>
        %dma_start3A_42 = tpu.memref_slice %arg6[%add3A_11] : memref<800000xf32, #tpu.memory_space<hbm>> -> memref<1000xf32, #tpu.memory_space<hbm>>
        %dma_start3A_43 = tpu.memref_slice %arg6[%add3A_11] : memref<800000xf32, #tpu.memory_space<hbm>> -> memref<1000xf32, #tpu.memory_space<hbm>>
        %dma_start3A_44 = arith.constant 0 : i32
        %dma_start3A_45 = tpu.memref_slice %arg12[%dma_start3A_44] : memref<1008xf32, #tpu.memory_space<vmem>> -> memref<1000xf32, #tpu.memory_space<vmem>>
        tpu.enqueue_dma source(%dma_start3A_45 : memref<1000xf32, #tpu.memory_space<vmem>>) target(%dma_start3A_43 : memref<1000xf32, #tpu.memory_space<hbm>>) target_semaphore(%run_scoped3A : memref<!tpu.dma_semaphore, #tpu.memory_space<semaphore_mem>>)
        %dma_wait3A_46 = arith.constant 0 : i32
        %dma_wait3A_47 = tpu.memref_slice %arg12[%dma_wait3A_46] : memref<1008xf32, #tpu.memory_space<vmem>> -> memref<1000xf32, #tpu.memory_space<vmem>>
        %dma_wait3A_48 = tpu.memref_slice %arg6[%add3A_11] : memref<800000xf32, #tpu.memory_space<hbm>> -> memref<1000xf32, #tpu.memory_space<hbm>>
        %dma_wait3A_49 = tpu.memref_slice %arg6[%add3A_11] : memref<800000xf32, #tpu.memory_space<hbm>> -> memref<1000xf32, #tpu.memory_space<hbm>>
        %dma_wait3A_50 = arith.constant 0 : i32
        %dma_wait3A_51 = tpu.memref_slice %arg12[%dma_wait3A_50] : memref<1008xf32, #tpu.memory_space<vmem>> -> memref<1000xf32, #tpu.memory_space<vmem>>
        tpu.wait_dma2 semaphore(%run_scoped3A : memref<!tpu.dma_semaphore, #tpu.memory_space<semaphore_mem>>) src(%dma_wait3A_51 : memref<1000xf32, #tpu.memory_space<vmem>>) dst(%dma_wait3A_49 : memref<1000xf32, #tpu.memory_space<hbm>>)
        tpu.yield
      }) : () -> ()
    }
    %scan3A_5 = arith.constant 25 : i32
    return
  }
}

#map = affine_map<(d0, d1) -> (0)>
#map1 = affine_map<(d0, d1) -> (0, 0)>
#map2 = affine_map<(d0, d1) -> (0, 0, 0)>
module attributes {stable_mosaic.version = 14 : i64} {
  func.func @_s2_body(%arg0: i32, %arg1: i32, %arg2: memref<800000xi32, #tpu.memory_space<hbm>>, %arg3: memref<800000x16xf32, #tpu.memory_space<hbm>>, %arg4: memref<50048x16xf32, #tpu.memory_space<hbm>>, %arg5: memref<2x50048x16xf32, #tpu.memory_space<hbm>>, %arg6: memref<1000xi32, #tpu.memory_space<vmem>>, %arg7: memref<1000x16xf32, #tpu.memory_space<vmem>>, %arg8: memref<50048x16xf32, #tpu.memory_space<vmem_shared>>) attributes {dimension_semantics = [#tpu.dimension_semantics<core_parallel>, #tpu.dimension_semantics<subcore_parallel>], iteration_bounds = array<i64: 2, 16>, scalar_prefetch = 0 : i64, scratch_operands = 3 : i64, tpu.core_type = #tpu.core_type<sc_vector_subcore>, window_params = [{transform_indices = #map}, {transform_indices = #map1}, {transform_indices = #map1}, {transform_indices = #map2}]} {
    %mul3A = arith.constant 16 : i32
    %mul3A_0 = arith.muli %arg0, %mul3A : i32
    %add3A = arith.addi %mul3A_0, %arg1 : i32
    %mul3A_1 = arith.constant 3128 : i32
    %mul3A_2 = arith.muli %arg1, %mul3A_1 : i32
    %mul3A_3 = arith.constant 3128 : i32
    %mul3A_4 = arith.muli %arg1, %mul3A_3 : i32
    "tpu.region"() ({
      %run_scoped3A = tpu.sem_alloc : memref<!tpu.dma_semaphore, #tpu.memory_space<semaphore_mem>>
      %dma_start3A = arith.constant 0 : i32
      %dma_start3A_15 = tpu.memref_slice %arg8[%mul3A_4, %dma_start3A] : memref<50048x16xf32, #tpu.memory_space<vmem_shared>> -> memref<3128x16xf32, #tpu.memory_space<vmem_shared>>
      %dma_start3A_16 = arith.constant 0 : i32
      %dma_start3A_17 = tpu.memref_slice %arg4[%mul3A_2, %dma_start3A_16] : memref<50048x16xf32, #tpu.memory_space<hbm>> -> memref<3128x16xf32, #tpu.memory_space<hbm>>
      tpu.enqueue_dma source(%dma_start3A_17 : memref<3128x16xf32, #tpu.memory_space<hbm>>) target(%dma_start3A_15 : memref<3128x16xf32, #tpu.memory_space<vmem_shared>>) target_semaphore(%run_scoped3A : memref<!tpu.dma_semaphore, #tpu.memory_space<semaphore_mem>>)
      %dma_wait3A = arith.constant 0 : i32
      %dma_wait3A_18 = tpu.memref_slice %arg8[%mul3A_4, %dma_wait3A] : memref<50048x16xf32, #tpu.memory_space<vmem_shared>> -> memref<3128x16xf32, #tpu.memory_space<vmem_shared>>
      %dma_wait3A_19 = arith.constant 0 : i32
      %dma_wait3A_20 = tpu.memref_slice %arg4[%mul3A_2, %dma_wait3A_19] : memref<50048x16xf32, #tpu.memory_space<hbm>> -> memref<3128x16xf32, #tpu.memory_space<hbm>>
      tpu.wait_dma2 semaphore(%run_scoped3A : memref<!tpu.dma_semaphore, #tpu.memory_space<semaphore_mem>>) src(%dma_wait3A_20 : memref<3128x16xf32, #tpu.memory_space<hbm>>) dst(%dma_wait3A_18 : memref<3128x16xf32, #tpu.memory_space<vmem_shared>>)
      tpu.yield
    }) : () -> ()
    %barrier3A = arith.constant 0 : index
    tpu.barrier barrier_id(%barrier3A)
    %scan3A = arith.constant 0 : i32
    %scan3A_5 = arith.constant 0 : i32
    %scan3A_6 = arith.constant 25 : i32
    %scan3A_7 = arith.addi %scan3A_5, %scan3A_6 : i32
    %scan3A_8 = arith.constant 1 : i32
    scf.for %scan3A_15 = %scan3A_5 to %scan3A_7 step %scan3A_8  : i32 {
      %mul3A_16 = arith.constant 25000 : i32
      %mul3A_17 = arith.muli %add3A, %mul3A_16 : i32
      %mul3A_18 = arith.constant 1000 : i32
      %mul3A_19 = arith.muli %scan3A_15, %mul3A_18 : i32
      %add3A_20 = arith.addi %mul3A_17, %mul3A_19 : i32
      "tpu.region"() ({
        %run_scoped3A = tpu.sem_alloc : memref<!tpu.dma_semaphore, #tpu.memory_space<semaphore_mem>>
        %dma_start3A = tpu.memref_slice %arg2[%add3A_20] : memref<800000xi32, #tpu.memory_space<hbm>> -> memref<1000xi32, #tpu.memory_space<hbm>>
        %dma_start3A_21 = tpu.memref_slice %arg2[%add3A_20] : memref<800000xi32, #tpu.memory_space<hbm>> -> memref<1000xi32, #tpu.memory_space<hbm>>
        tpu.enqueue_dma source(%dma_start3A_21 : memref<1000xi32, #tpu.memory_space<hbm>>) target(%arg6 : memref<1000xi32, #tpu.memory_space<vmem>>) target_semaphore(%run_scoped3A : memref<!tpu.dma_semaphore, #tpu.memory_space<semaphore_mem>>)
        %dma_wait3A = tpu.memref_slice %arg2[%add3A_20] : memref<800000xi32, #tpu.memory_space<hbm>> -> memref<1000xi32, #tpu.memory_space<hbm>>
        %dma_wait3A_22 = tpu.memref_slice %arg2[%add3A_20] : memref<800000xi32, #tpu.memory_space<hbm>> -> memref<1000xi32, #tpu.memory_space<hbm>>
        tpu.wait_dma2 semaphore(%run_scoped3A : memref<!tpu.dma_semaphore, #tpu.memory_space<semaphore_mem>>) src(%dma_wait3A_22 : memref<1000xi32, #tpu.memory_space<hbm>>) dst(%arg6 : memref<1000xi32, #tpu.memory_space<vmem>>)
        tpu.yield
      }) : () -> ()
      "tpu.region"() ({
        %run_scoped3A = tpu.sem_alloc : memref<!tpu.dma_semaphore, #tpu.memory_space<semaphore_mem>>
        %dma_start3A = arith.constant 0 : i32
        %dma_start3A_21 = tpu.memref_slice %arg3[%add3A_20, %dma_start3A] : memref<800000x16xf32, #tpu.memory_space<hbm>> -> memref<1000x16xf32, #tpu.memory_space<hbm>>
        %dma_start3A_22 = arith.constant 0 : i32
        %dma_start3A_23 = tpu.memref_slice %arg3[%add3A_20, %dma_start3A_22] : memref<800000x16xf32, #tpu.memory_space<hbm>> -> memref<1000x16xf32, #tpu.memory_space<hbm>>
        tpu.enqueue_dma source(%dma_start3A_23 : memref<1000x16xf32, #tpu.memory_space<hbm>>) target(%arg7 : memref<1000x16xf32, #tpu.memory_space<vmem>>) target_semaphore(%run_scoped3A : memref<!tpu.dma_semaphore, #tpu.memory_space<semaphore_mem>>)
        %dma_wait3A = arith.constant 0 : i32
        %dma_wait3A_24 = tpu.memref_slice %arg3[%add3A_20, %dma_wait3A] : memref<800000x16xf32, #tpu.memory_space<hbm>> -> memref<1000x16xf32, #tpu.memory_space<hbm>>
        %dma_wait3A_25 = arith.constant 0 : i32
        %dma_wait3A_26 = tpu.memref_slice %arg3[%add3A_20, %dma_wait3A_25] : memref<800000x16xf32, #tpu.memory_space<hbm>> -> memref<1000x16xf32, #tpu.memory_space<hbm>>
        tpu.wait_dma2 semaphore(%run_scoped3A : memref<!tpu.dma_semaphore, #tpu.memory_space<semaphore_mem>>) src(%dma_wait3A_26 : memref<1000x16xf32, #tpu.memory_space<hbm>>) dst(%arg7 : memref<1000x16xf32, #tpu.memory_space<vmem>>)
        tpu.yield
      }) : () -> ()
      "tpu.region"() ({
        %run_scoped3A = tpu.sem_alloc : memref<!tpu.dma_semaphore, #tpu.memory_space<semaphore_mem>>
        %dma_start3A = arith.constant 0 : i32
        %dma_start3A_21 = arith.constant 0 : i32
        %dma_start3A_22 = tpu.memref_slice %arg8[%dma_start3A, %dma_start3A_21] : memref<50048x16xf32, #tpu.memory_space<vmem_shared>> -> memref<50048x16xf32, #tpu.memory_space<vmem_shared>>
        tpu.enqueue_indirect_dma source(%arg7 : memref<1000x16xf32, #tpu.memory_space<vmem>>) target(%dma_start3A_22 : memref<50048x16xf32, #tpu.memory_space<vmem_shared>>) offsets(%arg6 : memref<1000xi32, #tpu.memory_space<vmem>>) semaphore(%run_scoped3A : memref<!tpu.dma_semaphore, #tpu.memory_space<semaphore_mem>>) {add = true}
        %dma_wait3A = arith.constant 0 : i32
        %dma_wait3A_23 = arith.constant 0 : i32
        %dma_wait3A_24 = tpu.memref_slice %arg8[%dma_wait3A, %dma_wait3A_23] : memref<50048x16xf32, #tpu.memory_space<vmem_shared>> -> memref<50048x16xf32, #tpu.memory_space<vmem_shared>>
        tpu.wait_indirect_dma semaphore(%run_scoped3A : memref<!tpu.dma_semaphore, #tpu.memory_space<semaphore_mem>>) src(%arg7 : memref<1000x16xf32, #tpu.memory_space<vmem>>) dst(%dma_wait3A_24 : memref<50048x16xf32, #tpu.memory_space<vmem_shared>>)
        tpu.yield
      }) : () -> ()
    }
    %scan3A_9 = arith.constant 25 : i32
    %barrier3A_10 = arith.constant 0 : index
    tpu.barrier barrier_id(%barrier3A_10)
    %mul3A_11 = arith.constant 3128 : i32
    %mul3A_12 = arith.muli %arg1, %mul3A_11 : i32
    %mul3A_13 = arith.constant 3128 : i32
    %mul3A_14 = arith.muli %arg1, %mul3A_13 : i32
    "tpu.region"() ({
      %run_scoped3A = tpu.sem_alloc : memref<!tpu.dma_semaphore, #tpu.memory_space<semaphore_mem>>
      %dma_start3A = arith.constant 0 : i32
      %dma_start3A_15 = tpu.memref_slice %arg5[%arg0, %mul3A_14, %dma_start3A] : memref<2x50048x16xf32, #tpu.memory_space<hbm>> -> memref<1x3128x16xf32, #tpu.memory_space<hbm>>
      %dma_start3A_16 = tpu.memref_squeeze %dma_start3A_15 : memref<1x3128x16xf32, #tpu.memory_space<hbm>> -> memref<3128x16xf32, #tpu.memory_space<hbm>>
      %dma_start3A_17 = arith.constant 0 : i32
      %dma_start3A_18 = tpu.memref_slice %arg8[%mul3A_12, %dma_start3A_17] : memref<50048x16xf32, #tpu.memory_space<vmem_shared>> -> memref<3128x16xf32, #tpu.memory_space<vmem_shared>>
      tpu.enqueue_dma source(%dma_start3A_18 : memref<3128x16xf32, #tpu.memory_space<vmem_shared>>) target(%dma_start3A_16 : memref<3128x16xf32, #tpu.memory_space<hbm>>) target_semaphore(%run_scoped3A : memref<!tpu.dma_semaphore, #tpu.memory_space<semaphore_mem>>)
      %dma_wait3A = arith.constant 0 : i32
      %dma_wait3A_19 = tpu.memref_slice %arg5[%arg0, %mul3A_14, %dma_wait3A] : memref<2x50048x16xf32, #tpu.memory_space<hbm>> -> memref<1x3128x16xf32, #tpu.memory_space<hbm>>
      %dma_wait3A_20 = tpu.memref_squeeze %dma_wait3A_19 : memref<1x3128x16xf32, #tpu.memory_space<hbm>> -> memref<3128x16xf32, #tpu.memory_space<hbm>>
      %dma_wait3A_21 = arith.constant 0 : i32
      %dma_wait3A_22 = tpu.memref_slice %arg8[%mul3A_12, %dma_wait3A_21] : memref<50048x16xf32, #tpu.memory_space<vmem_shared>> -> memref<3128x16xf32, #tpu.memory_space<vmem_shared>>
      tpu.wait_dma2 semaphore(%run_scoped3A : memref<!tpu.dma_semaphore, #tpu.memory_space<semaphore_mem>>) src(%dma_wait3A_22 : memref<3128x16xf32, #tpu.memory_space<vmem_shared>>) dst(%dma_wait3A_20 : memref<3128x16xf32, #tpu.memory_space<hbm>>)
      tpu.yield
    }) : () -> ()
    return
  }
}

#map = affine_map<(d0, d1) -> (0)>
#map1 = affine_map<(d0, d1) -> (0, 0)>
#map2 = affine_map<(d0, d1) -> (0, 0, 0)>
module attributes {stable_mosaic.version = 14 : i64} {
  func.func @_s3_body(%arg0: i32, %arg1: i32, %arg2: memref<800000xi32, #tpu.memory_space<hbm>>, %arg3: memref<800000xi32, #tpu.memory_space<hbm>>, %arg4: memref<800000x16xf32, #tpu.memory_space<hbm>>, %arg5: memref<50048x16xf32, #tpu.memory_space<hbm>>, %arg6: memref<50000x32xf32, #tpu.memory_space<hbm>>, %arg7: memref<50048x8xf32, #tpu.memory_space<hbm>>, %arg8: memref<2x50048x8xf32, #tpu.memory_space<hbm>>, %arg9: memref<1000xi32, #tpu.memory_space<vmem>>, %arg10: memref<1000xi32, #tpu.memory_space<vmem>>, %arg11: memref<1008x16xf32, #tpu.memory_space<vmem>>, %arg12: memref<1008x16xf32, #tpu.memory_space<vmem>>, %arg13: memref<1008x32xf32, #tpu.memory_space<vmem>>, %arg14: memref<1008x8xf32, #tpu.memory_space<vmem>>, %arg15: memref<50048x8xf32, #tpu.memory_space<vmem_shared>>, %arg16: memref<!tpu.dma_semaphore, #tpu.memory_space<semaphore_mem>>) attributes {dimension_semantics = [#tpu.dimension_semantics<core_parallel>, #tpu.dimension_semantics<subcore_parallel>], iteration_bounds = array<i64: 2, 16>, scalar_prefetch = 0 : i64, scratch_operands = 8 : i64, tpu.core_type = #tpu.core_type<sc_vector_subcore>, window_params = [{transform_indices = #map}, {transform_indices = #map}, {transform_indices = #map1}, {transform_indices = #map1}, {transform_indices = #map1}, {transform_indices = #map1}, {transform_indices = #map2}]} {
    %mul3A = arith.constant 16 : i32
    %mul3A_0 = arith.muli %arg0, %mul3A : i32
    %add3A = arith.addi %mul3A_0, %arg1 : i32
    %mul3A_1 = arith.constant 3128 : i32
    %mul3A_2 = arith.muli %arg1, %mul3A_1 : i32
    %mul3A_3 = arith.constant 3128 : i32
    %mul3A_4 = arith.muli %arg1, %mul3A_3 : i32
    "tpu.region"() ({
      %run_scoped3A = tpu.sem_alloc : memref<!tpu.dma_semaphore, #tpu.memory_space<semaphore_mem>>
      %dma_start3A = arith.constant 0 : i32
      %dma_start3A_15 = tpu.memref_slice %arg15[%mul3A_4, %dma_start3A] : memref<50048x8xf32, #tpu.memory_space<vmem_shared>> -> memref<3128x8xf32, #tpu.memory_space<vmem_shared>>
      %dma_start3A_16 = arith.constant 0 : i32
      %dma_start3A_17 = tpu.memref_slice %arg7[%mul3A_2, %dma_start3A_16] : memref<50048x8xf32, #tpu.memory_space<hbm>> -> memref<3128x8xf32, #tpu.memory_space<hbm>>
      tpu.enqueue_dma source(%dma_start3A_17 : memref<3128x8xf32, #tpu.memory_space<hbm>>) target(%dma_start3A_15 : memref<3128x8xf32, #tpu.memory_space<vmem_shared>>) target_semaphore(%run_scoped3A : memref<!tpu.dma_semaphore, #tpu.memory_space<semaphore_mem>>)
      %dma_wait3A = arith.constant 0 : i32
      %dma_wait3A_18 = tpu.memref_slice %arg15[%mul3A_4, %dma_wait3A] : memref<50048x8xf32, #tpu.memory_space<vmem_shared>> -> memref<3128x8xf32, #tpu.memory_space<vmem_shared>>
      %dma_wait3A_19 = arith.constant 0 : i32
      %dma_wait3A_20 = tpu.memref_slice %arg7[%mul3A_2, %dma_wait3A_19] : memref<50048x8xf32, #tpu.memory_space<hbm>> -> memref<3128x8xf32, #tpu.memory_space<hbm>>
      tpu.wait_dma2 semaphore(%run_scoped3A : memref<!tpu.dma_semaphore, #tpu.memory_space<semaphore_mem>>) src(%dma_wait3A_20 : memref<3128x8xf32, #tpu.memory_space<hbm>>) dst(%dma_wait3A_18 : memref<3128x8xf32, #tpu.memory_space<vmem_shared>>)
      tpu.yield
    }) : () -> ()
    %barrier3A = arith.constant 0 : index
    tpu.barrier barrier_id(%barrier3A)
    %iota3A = tpu.iota {dimensions = array<i32: 0>} : vector<16xi32>
    %scan3A = arith.constant 0 : i32
    %scan3A_5 = arith.constant 0 : i32
    %scan3A_6 = arith.constant 25 : i32
    %scan3A_7 = arith.addi %scan3A_5, %scan3A_6 : i32
    %scan3A_8 = arith.constant 1 : i32
    scf.for %scan3A_15 = %scan3A_5 to %scan3A_7 step %scan3A_8  : i32 {
      %mul3A_16 = arith.constant 25000 : i32
      %mul3A_17 = arith.muli %add3A, %mul3A_16 : i32
      %mul3A_18 = arith.constant 1000 : i32
      %mul3A_19 = arith.muli %scan3A_15, %mul3A_18 : i32
      %add3A_20 = arith.addi %mul3A_17, %mul3A_19 : i32
      "tpu.region"() ({
        %run_scoped3A = tpu.sem_alloc : memref<!tpu.dma_semaphore, #tpu.memory_space<semaphore_mem>>
        %dma_start3A_49 = tpu.memref_slice %arg2[%add3A_20] : memref<800000xi32, #tpu.memory_space<hbm>> -> memref<1000xi32, #tpu.memory_space<hbm>>
        %dma_start3A_50 = tpu.memref_slice %arg2[%add3A_20] : memref<800000xi32, #tpu.memory_space<hbm>> -> memref<1000xi32, #tpu.memory_space<hbm>>
        tpu.enqueue_dma source(%dma_start3A_50 : memref<1000xi32, #tpu.memory_space<hbm>>) target(%arg9 : memref<1000xi32, #tpu.memory_space<vmem>>) target_semaphore(%run_scoped3A : memref<!tpu.dma_semaphore, #tpu.memory_space<semaphore_mem>>)
        %dma_wait3A_51 = tpu.memref_slice %arg2[%add3A_20] : memref<800000xi32, #tpu.memory_space<hbm>> -> memref<1000xi32, #tpu.memory_space<hbm>>
        %dma_wait3A_52 = tpu.memref_slice %arg2[%add3A_20] : memref<800000xi32, #tpu.memory_space<hbm>> -> memref<1000xi32, #tpu.memory_space<hbm>>
        tpu.wait_dma2 semaphore(%run_scoped3A : memref<!tpu.dma_semaphore, #tpu.memory_space<semaphore_mem>>) src(%dma_wait3A_52 : memref<1000xi32, #tpu.memory_space<hbm>>) dst(%arg9 : memref<1000xi32, #tpu.memory_space<vmem>>)
        tpu.yield
      }) : () -> ()
      "tpu.region"() ({
        %run_scoped3A = tpu.sem_alloc : memref<!tpu.dma_semaphore, #tpu.memory_space<semaphore_mem>>
        %dma_start3A_49 = tpu.memref_slice %arg3[%add3A_20] : memref<800000xi32, #tpu.memory_space<hbm>> -> memref<1000xi32, #tpu.memory_space<hbm>>
        %dma_start3A_50 = tpu.memref_slice %arg3[%add3A_20] : memref<800000xi32, #tpu.memory_space<hbm>> -> memref<1000xi32, #tpu.memory_space<hbm>>
        tpu.enqueue_dma source(%dma_start3A_50 : memref<1000xi32, #tpu.memory_space<hbm>>) target(%arg10 : memref<1000xi32, #tpu.memory_space<vmem>>) target_semaphore(%run_scoped3A : memref<!tpu.dma_semaphore, #tpu.memory_space<semaphore_mem>>)
        %dma_wait3A_51 = tpu.memref_slice %arg3[%add3A_20] : memref<800000xi32, #tpu.memory_space<hbm>> -> memref<1000xi32, #tpu.memory_space<hbm>>
        %dma_wait3A_52 = tpu.memref_slice %arg3[%add3A_20] : memref<800000xi32, #tpu.memory_space<hbm>> -> memref<1000xi32, #tpu.memory_space<hbm>>
        tpu.wait_dma2 semaphore(%run_scoped3A : memref<!tpu.dma_semaphore, #tpu.memory_space<semaphore_mem>>) src(%dma_wait3A_52 : memref<1000xi32, #tpu.memory_space<hbm>>) dst(%arg10 : memref<1000xi32, #tpu.memory_space<vmem>>)
        tpu.yield
      }) : () -> ()
      "tpu.region"() ({
        %run_scoped3A = tpu.sem_alloc : memref<!tpu.dma_semaphore, #tpu.memory_space<semaphore_mem>>
        %dma_start3A_49 = arith.constant 0 : i32
        %dma_start3A_50 = arith.constant 0 : i32
        %dma_start3A_51 = tpu.memref_slice %arg11[%dma_start3A_49, %dma_start3A_50] : memref<1008x16xf32, #tpu.memory_space<vmem>> -> memref<1000x16xf32, #tpu.memory_space<vmem>>
        %dma_start3A_52 = arith.constant 0 : i32
        %dma_start3A_53 = tpu.memref_slice %arg4[%add3A_20, %dma_start3A_52] : memref<800000x16xf32, #tpu.memory_space<hbm>> -> memref<1000x16xf32, #tpu.memory_space<hbm>>
        %dma_start3A_54 = arith.constant 0 : i32
        %dma_start3A_55 = arith.constant 0 : i32
        %dma_start3A_56 = tpu.memref_slice %arg11[%dma_start3A_54, %dma_start3A_55] : memref<1008x16xf32, #tpu.memory_space<vmem>> -> memref<1000x16xf32, #tpu.memory_space<vmem>>
        %dma_start3A_57 = arith.constant 0 : i32
        %dma_start3A_58 = tpu.memref_slice %arg4[%add3A_20, %dma_start3A_57] : memref<800000x16xf32, #tpu.memory_space<hbm>> -> memref<1000x16xf32, #tpu.memory_space<hbm>>
        tpu.enqueue_dma source(%dma_start3A_58 : memref<1000x16xf32, #tpu.memory_space<hbm>>) target(%dma_start3A_56 : memref<1000x16xf32, #tpu.memory_space<vmem>>) target_semaphore(%run_scoped3A : memref<!tpu.dma_semaphore, #tpu.memory_space<semaphore_mem>>)
        %dma_wait3A_59 = arith.constant 0 : i32
        %dma_wait3A_60 = arith.constant 0 : i32
        %dma_wait3A_61 = tpu.memref_slice %arg11[%dma_wait3A_59, %dma_wait3A_60] : memref<1008x16xf32, #tpu.memory_space<vmem>> -> memref<1000x16xf32, #tpu.memory_space<vmem>>
        %dma_wait3A_62 = arith.constant 0 : i32
        %dma_wait3A_63 = tpu.memref_slice %arg4[%add3A_20, %dma_wait3A_62] : memref<800000x16xf32, #tpu.memory_space<hbm>> -> memref<1000x16xf32, #tpu.memory_space<hbm>>
        %dma_wait3A_64 = arith.constant 0 : i32
        %dma_wait3A_65 = arith.constant 0 : i32
        %dma_wait3A_66 = tpu.memref_slice %arg11[%dma_wait3A_64, %dma_wait3A_65] : memref<1008x16xf32, #tpu.memory_space<vmem>> -> memref<1000x16xf32, #tpu.memory_space<vmem>>
        %dma_wait3A_67 = arith.constant 0 : i32
        %dma_wait3A_68 = tpu.memref_slice %arg4[%add3A_20, %dma_wait3A_67] : memref<800000x16xf32, #tpu.memory_space<hbm>> -> memref<1000x16xf32, #tpu.memory_space<hbm>>
        tpu.wait_dma2 semaphore(%run_scoped3A : memref<!tpu.dma_semaphore, #tpu.memory_space<semaphore_mem>>) src(%dma_wait3A_68 : memref<1000x16xf32, #tpu.memory_space<hbm>>) dst(%dma_wait3A_66 : memref<1000x16xf32, #tpu.memory_space<vmem>>)
        tpu.yield
      }) : () -> ()
      %dma_start3A = arith.constant 0 : i32
      %dma_start3A_21 = arith.constant 0 : i32
      %dma_start3A_22 = tpu.memref_slice %arg12[%dma_start3A, %dma_start3A_21] : memref<1008x16xf32, #tpu.memory_space<vmem>> -> memref<1000x16xf32, #tpu.memory_space<vmem>>
      %dma_start3A_23 = arith.constant 0 : i32
      %dma_start3A_24 = arith.constant 0 : i32
      %dma_start3A_25 = tpu.memref_slice %arg5[%dma_start3A_23, %dma_start3A_24] : memref<50048x16xf32, #tpu.memory_space<hbm>> -> memref<50048x16xf32, #tpu.memory_space<hbm>>
      tpu.enqueue_indirect_dma source(%dma_start3A_25 : memref<50048x16xf32, #tpu.memory_space<hbm>>) target(%dma_start3A_22 : memref<1000x16xf32, #tpu.memory_space<vmem>>) offsets(%arg10 : memref<1000xi32, #tpu.memory_space<vmem>>) semaphore(%arg16 : memref<!tpu.dma_semaphore, #tpu.memory_space<semaphore_mem>>)
      %dma_start3A_26 = arith.constant 0 : i32
      %dma_start3A_27 = arith.constant 0 : i32
      %dma_start3A_28 = tpu.memref_slice %arg13[%dma_start3A_26, %dma_start3A_27] : memref<1008x32xf32, #tpu.memory_space<vmem>> -> memref<1000x32xf32, #tpu.memory_space<vmem>>
      %dma_start3A_29 = arith.constant 0 : i32
      %dma_start3A_30 = arith.constant 0 : i32
      %dma_start3A_31 = tpu.memref_slice %arg6[%dma_start3A_29, %dma_start3A_30] : memref<50000x32xf32, #tpu.memory_space<hbm>> -> memref<50000x32xf32, #tpu.memory_space<hbm>>
      tpu.enqueue_indirect_dma source(%dma_start3A_31 : memref<50000x32xf32, #tpu.memory_space<hbm>>) target(%dma_start3A_28 : memref<1000x32xf32, #tpu.memory_space<vmem>>) offsets(%arg9 : memref<1000xi32, #tpu.memory_space<vmem>>) semaphore(%arg16 : memref<!tpu.dma_semaphore, #tpu.memory_space<semaphore_mem>>)
      %dma_wait3A = arith.constant 0 : i32
      %dma_wait3A_32 = arith.constant 0 : i32
      %dma_wait3A_33 = tpu.memref_slice %arg12[%dma_wait3A, %dma_wait3A_32] : memref<1008x16xf32, #tpu.memory_space<vmem>> -> memref<1000x16xf32, #tpu.memory_space<vmem>>
      %dma_wait3A_34 = arith.constant 0 : i32
      %dma_wait3A_35 = arith.constant 0 : i32
      %dma_wait3A_36 = tpu.memref_slice %arg5[%dma_wait3A_34, %dma_wait3A_35] : memref<50048x16xf32, #tpu.memory_space<hbm>> -> memref<50048x16xf32, #tpu.memory_space<hbm>>
      tpu.wait_indirect_dma semaphore(%arg16 : memref<!tpu.dma_semaphore, #tpu.memory_space<semaphore_mem>>) src(%dma_wait3A_36 : memref<50048x16xf32, #tpu.memory_space<hbm>>) dst(%dma_wait3A_33 : memref<1000x16xf32, #tpu.memory_space<vmem>>)
      %dma_wait3A_37 = arith.constant 0 : i32
      %dma_wait3A_38 = arith.constant 0 : i32
      %dma_wait3A_39 = tpu.memref_slice %arg13[%dma_wait3A_37, %dma_wait3A_38] : memref<1008x32xf32, #tpu.memory_space<vmem>> -> memref<1000x32xf32, #tpu.memory_space<vmem>>
      %dma_wait3A_40 = arith.constant 0 : i32
      %dma_wait3A_41 = arith.constant 0 : i32
      %dma_wait3A_42 = tpu.memref_slice %arg6[%dma_wait3A_40, %dma_wait3A_41] : memref<50000x32xf32, #tpu.memory_space<hbm>> -> memref<50000x32xf32, #tpu.memory_space<hbm>>
      tpu.wait_indirect_dma semaphore(%arg16 : memref<!tpu.dma_semaphore, #tpu.memory_space<semaphore_mem>>) src(%dma_wait3A_42 : memref<50000x32xf32, #tpu.memory_space<hbm>>) dst(%dma_wait3A_39 : memref<1000x32xf32, #tpu.memory_space<vmem>>)
      %scan3A_43 = arith.constant 0 : i32
      %scan3A_44 = arith.constant 0 : i32
      %scan3A_45 = arith.constant 63 : i32
      %scan3A_46 = arith.addi %scan3A_44, %scan3A_45 : i32
      %scan3A_47 = arith.constant 1 : i32
      scf.for %scan3A_49 = %scan3A_44 to %scan3A_46 step %scan3A_47  : i32 {
        %mul3A_50 = arith.constant 16 : i32
        %mul3A_51 = arith.muli %scan3A_49, %mul3A_50 : i32
        %add3A_52 = vector.broadcast %mul3A_51 : i32 to vector<16xi32>
        %add3A_53 = arith.addi %add3A_52, %iota3A : vector<16xi32>
        %broadcast_in_dim3A = arith.constant 0 : i32
        %broadcast_in_dim3A_54 = vector.broadcast %broadcast_in_dim3A : i32 to vector<16xi32>
        %gather3A = tpu.vector_load_idx %arg11[%add3A_53, %broadcast_in_dim3A_54] : memref<1008x16xf32, #tpu.memory_space<vmem>>[vector<16xi32>, vector<16xi32>], vector<16xf32>,
        %broadcast_in_dim3A_55 = arith.constant 0 : i32
        %broadcast_in_dim3A_56 = vector.broadcast %broadcast_in_dim3A_55 : i32 to vector<16xi32>
        %gather3A_57 = tpu.vector_load_idx %arg12[%add3A_53, %broadcast_in_dim3A_56] : memref<1008x16xf32, #tpu.memory_space<vmem>>[vector<16xi32>, vector<16xi32>], vector<16xf32>,
        %mul3A_58 = arith.mulf %gather3A, %gather3A_57 : vector<16xf32>
        %broadcast_in_dim3A_59 = arith.constant 1 : i32
        %broadcast_in_dim3A_60 = vector.broadcast %broadcast_in_dim3A_59 : i32 to vector<16xi32>
        %gather3A_61 = tpu.vector_load_idx %arg11[%add3A_53, %broadcast_in_dim3A_60] : memref<1008x16xf32, #tpu.memory_space<vmem>>[vector<16xi32>, vector<16xi32>], vector<16xf32>,
        %broadcast_in_dim3A_62 = arith.constant 1 : i32
        %broadcast_in_dim3A_63 = vector.broadcast %broadcast_in_dim3A_62 : i32 to vector<16xi32>
        %gather3A_64 = tpu.vector_load_idx %arg12[%add3A_53, %broadcast_in_dim3A_63] : memref<1008x16xf32, #tpu.memory_space<vmem>>[vector<16xi32>, vector<16xi32>], vector<16xf32>,
        %mul3A_65 = arith.mulf %gather3A_61, %gather3A_64 : vector<16xf32>
        %broadcast_in_dim3A_66 = arith.constant 2 : i32
        %broadcast_in_dim3A_67 = vector.broadcast %broadcast_in_dim3A_66 : i32 to vector<16xi32>
        %gather3A_68 = tpu.vector_load_idx %arg11[%add3A_53, %broadcast_in_dim3A_67] : memref<1008x16xf32, #tpu.memory_space<vmem>>[vector<16xi32>, vector<16xi32>], vector<16xf32>,
        %broadcast_in_dim3A_69 = arith.constant 2 : i32
        %broadcast_in_dim3A_70 = vector.broadcast %broadcast_in_dim3A_69 : i32 to vector<16xi32>
        %gather3A_71 = tpu.vector_load_idx %arg12[%add3A_53, %broadcast_in_dim3A_70] : memref<1008x16xf32, #tpu.memory_space<vmem>>[vector<16xi32>, vector<16xi32>], vector<16xf32>,
        %mul3A_72 = arith.mulf %gather3A_68, %gather3A_71 : vector<16xf32>
        %broadcast_in_dim3A_73 = arith.constant 3 : i32
        %broadcast_in_dim3A_74 = vector.broadcast %broadcast_in_dim3A_73 : i32 to vector<16xi32>
        %gather3A_75 = tpu.vector_load_idx %arg11[%add3A_53, %broadcast_in_dim3A_74] : memref<1008x16xf32, #tpu.memory_space<vmem>>[vector<16xi32>, vector<16xi32>], vector<16xf32>,
        %broadcast_in_dim3A_76 = arith.constant 3 : i32
        %broadcast_in_dim3A_77 = vector.broadcast %broadcast_in_dim3A_76 : i32 to vector<16xi32>
        %gather3A_78 = tpu.vector_load_idx %arg12[%add3A_53, %broadcast_in_dim3A_77] : memref<1008x16xf32, #tpu.memory_space<vmem>>[vector<16xi32>, vector<16xi32>], vector<16xf32>,
        %mul3A_79 = arith.mulf %gather3A_75, %gather3A_78 : vector<16xf32>
        %broadcast_in_dim3A_80 = arith.constant 0 : i32
        %broadcast_in_dim3A_81 = vector.broadcast %broadcast_in_dim3A_80 : i32 to vector<16xi32>
        %gather3A_82 = tpu.vector_load_idx %arg13[%add3A_53, %broadcast_in_dim3A_81] : memref<1008x32xf32, #tpu.memory_space<vmem>>[vector<16xi32>, vector<16xi32>], vector<16xf32>,
        %mul3A_83 = arith.mulf %mul3A_58, %gather3A_82 : vector<16xf32>
        %broadcast_in_dim3A_84 = arith.constant 16 : i32
        %broadcast_in_dim3A_85 = vector.broadcast %broadcast_in_dim3A_84 : i32 to vector<16xi32>
        %gather3A_86 = tpu.vector_load_idx %arg13[%add3A_53, %broadcast_in_dim3A_85] : memref<1008x32xf32, #tpu.memory_space<vmem>>[vector<16xi32>, vector<16xi32>], vector<16xf32>,
        %mul3A_87 = arith.mulf %mul3A_58, %gather3A_86 : vector<16xf32>
        %broadcast_in_dim3A_88 = arith.constant 4 : i32
        %broadcast_in_dim3A_89 = vector.broadcast %broadcast_in_dim3A_88 : i32 to vector<16xi32>
        %gather3A_90 = tpu.vector_load_idx %arg13[%add3A_53, %broadcast_in_dim3A_89] : memref<1008x32xf32, #tpu.memory_space<vmem>>[vector<16xi32>, vector<16xi32>], vector<16xf32>,
        %mul3A_91 = arith.mulf %mul3A_65, %gather3A_90 : vector<16xf32>
        %add3A_92 = arith.addf %mul3A_83, %mul3A_91 : vector<16xf32>
        %broadcast_in_dim3A_93 = arith.constant 20 : i32
        %broadcast_in_dim3A_94 = vector.broadcast %broadcast_in_dim3A_93 : i32 to vector<16xi32>
        %gather3A_95 = tpu.vector_load_idx %arg13[%add3A_53, %broadcast_in_dim3A_94] : memref<1008x32xf32, #tpu.memory_space<vmem>>[vector<16xi32>, vector<16xi32>], vector<16xf32>,
        %mul3A_96 = arith.mulf %mul3A_65, %gather3A_95 : vector<16xf32>
        %add3A_97 = arith.addf %mul3A_87, %mul3A_96 : vector<16xf32>
        %broadcast_in_dim3A_98 = arith.constant 8 : i32
        %broadcast_in_dim3A_99 = vector.broadcast %broadcast_in_dim3A_98 : i32 to vector<16xi32>
        %gather3A_100 = tpu.vector_load_idx %arg13[%add3A_53, %broadcast_in_dim3A_99] : memref<1008x32xf32, #tpu.memory_space<vmem>>[vector<16xi32>, vector<16xi32>], vector<16xf32>,
        %mul3A_101 = arith.mulf %mul3A_72, %gather3A_100 : vector<16xf32>
        %add3A_102 = arith.addf %add3A_92, %mul3A_101 : vector<16xf32>
        %broadcast_in_dim3A_103 = arith.constant 24 : i32
        %broadcast_in_dim3A_104 = vector.broadcast %broadcast_in_dim3A_103 : i32 to vector<16xi32>
        %gather3A_105 = tpu.vector_load_idx %arg13[%add3A_53, %broadcast_in_dim3A_104] : memref<1008x32xf32, #tpu.memory_space<vmem>>[vector<16xi32>, vector<16xi32>], vector<16xf32>,
        %mul3A_106 = arith.mulf %mul3A_72, %gather3A_105 : vector<16xf32>
        %add3A_107 = arith.addf %add3A_97, %mul3A_106 : vector<16xf32>
        %broadcast_in_dim3A_108 = arith.constant 12 : i32
        %broadcast_in_dim3A_109 = vector.broadcast %broadcast_in_dim3A_108 : i32 to vector<16xi32>
        %gather3A_110 = tpu.vector_load_idx %arg13[%add3A_53, %broadcast_in_dim3A_109] : memref<1008x32xf32, #tpu.memory_space<vmem>>[vector<16xi32>, vector<16xi32>], vector<16xf32>,
        %mul3A_111 = arith.mulf %mul3A_79, %gather3A_110 : vector<16xf32>
        %add3A_112 = arith.addf %add3A_102, %mul3A_111 : vector<16xf32>
        %broadcast_in_dim3A_113 = arith.constant 28 : i32
        %broadcast_in_dim3A_114 = vector.broadcast %broadcast_in_dim3A_113 : i32 to vector<16xi32>
        %gather3A_115 = tpu.vector_load_idx %arg13[%add3A_53, %broadcast_in_dim3A_114] : memref<1008x32xf32, #tpu.memory_space<vmem>>[vector<16xi32>, vector<16xi32>], vector<16xf32>,
        %mul3A_116 = arith.mulf %mul3A_79, %gather3A_115 : vector<16xf32>
        %add3A_117 = arith.addf %add3A_107, %mul3A_116 : vector<16xf32>
        %broadcast_in_dim3A_118 = arith.constant 0 : i32
        %broadcast_in_dim3A_119 = vector.broadcast %broadcast_in_dim3A_118 : i32 to vector<16xi32>
        tpu.vector_store_idx %arg14[%add3A_53, %broadcast_in_dim3A_119], %add3A_112 : memref<1008x8xf32, #tpu.memory_space<vmem>>[vector<16xi32>, vector<16xi32>], vector<16xf32>,
        %broadcast_in_dim3A_120 = arith.constant 4 : i32
        %broadcast_in_dim3A_121 = vector.broadcast %broadcast_in_dim3A_120 : i32 to vector<16xi32>
        tpu.vector_store_idx %arg14[%add3A_53, %broadcast_in_dim3A_121], %add3A_117 : memref<1008x8xf32, #tpu.memory_space<vmem>>[vector<16xi32>, vector<16xi32>], vector<16xf32>,
        %broadcast_in_dim3A_122 = arith.constant 1 : i32
        %broadcast_in_dim3A_123 = vector.broadcast %broadcast_in_dim3A_122 : i32 to vector<16xi32>
        %gather3A_124 = tpu.vector_load_idx %arg13[%add3A_53, %broadcast_in_dim3A_123] : memref<1008x32xf32, #tpu.memory_space<vmem>>[vector<16xi32>, vector<16xi32>], vector<16xf32>,
        %mul3A_125 = arith.mulf %mul3A_58, %gather3A_124 : vector<16xf32>
        %broadcast_in_dim3A_126 = arith.constant 17 : i32
        %broadcast_in_dim3A_127 = vector.broadcast %broadcast_in_dim3A_126 : i32 to vector<16xi32>
        %gather3A_128 = tpu.vector_load_idx %arg13[%add3A_53, %broadcast_in_dim3A_127] : memref<1008x32xf32, #tpu.memory_space<vmem>>[vector<16xi32>, vector<16xi32>], vector<16xf32>,
        %mul3A_129 = arith.mulf %mul3A_58, %gather3A_128 : vector<16xf32>
        %broadcast_in_dim3A_130 = arith.constant 5 : i32
        %broadcast_in_dim3A_131 = vector.broadcast %broadcast_in_dim3A_130 : i32 to vector<16xi32>
        %gather3A_132 = tpu.vector_load_idx %arg13[%add3A_53, %broadcast_in_dim3A_131] : memref<1008x32xf32, #tpu.memory_space<vmem>>[vector<16xi32>, vector<16xi32>], vector<16xf32>,
        %mul3A_133 = arith.mulf %mul3A_65, %gather3A_132 : vector<16xf32>
        %add3A_134 = arith.addf %mul3A_125, %mul3A_133 : vector<16xf32>
        %broadcast_in_dim3A_135 = arith.constant 21 : i32
        %broadcast_in_dim3A_136 = vector.broadcast %broadcast_in_dim3A_135 : i32 to vector<16xi32>
        %gather3A_137 = tpu.vector_load_idx %arg13[%add3A_53, %broadcast_in_dim3A_136] : memref<1008x32xf32, #tpu.memory_space<vmem>>[vector<16xi32>, vector<16xi32>], vector<16xf32>,
        %mul3A_138 = arith.mulf %mul3A_65, %gather3A_137 : vector<16xf32>
        %add3A_139 = arith.addf %mul3A_129, %mul3A_138 : vector<16xf32>
        %broadcast_in_dim3A_140 = arith.constant 9 : i32
        %broadcast_in_dim3A_141 = vector.broadcast %broadcast_in_dim3A_140 : i32 to vector<16xi32>
        %gather3A_142 = tpu.vector_load_idx %arg13[%add3A_53, %broadcast_in_dim3A_141] : memref<1008x32xf32, #tpu.memory_space<vmem>>[vector<16xi32>, vector<16xi32>], vector<16xf32>,
        %mul3A_143 = arith.mulf %mul3A_72, %gather3A_142 : vector<16xf32>
        %add3A_144 = arith.addf %add3A_134, %mul3A_143 : vector<16xf32>
        %broadcast_in_dim3A_145 = arith.constant 25 : i32
        %broadcast_in_dim3A_146 = vector.broadcast %broadcast_in_dim3A_145 : i32 to vector<16xi32>
        %gather3A_147 = tpu.vector_load_idx %arg13[%add3A_53, %broadcast_in_dim3A_146] : memref<1008x32xf32, #tpu.memory_space<vmem>>[vector<16xi32>, vector<16xi32>], vector<16xf32>,
        %mul3A_148 = arith.mulf %mul3A_72, %gather3A_147 : vector<16xf32>
        %add3A_149 = arith.addf %add3A_139, %mul3A_148 : vector<16xf32>
        %broadcast_in_dim3A_150 = arith.constant 13 : i32
        %broadcast_in_dim3A_151 = vector.broadcast %broadcast_in_dim3A_150 : i32 to vector<16xi32>
        %gather3A_152 = tpu.vector_load_idx %arg13[%add3A_53, %broadcast_in_dim3A_151] : memref<1008x32xf32, #tpu.memory_space<vmem>>[vector<16xi32>, vector<16xi32>], vector<16xf32>,
        %mul3A_153 = arith.mulf %mul3A_79, %gather3A_152 : vector<16xf32>
        %add3A_154 = arith.addf %add3A_144, %mul3A_153 : vector<16xf32>
        %broadcast_in_dim3A_155 = arith.constant 29 : i32
        %broadcast_in_dim3A_156 = vector.broadcast %broadcast_in_dim3A_155 : i32 to vector<16xi32>
        %gather3A_157 = tpu.vector_load_idx %arg13[%add3A_53, %broadcast_in_dim3A_156] : memref<1008x32xf32, #tpu.memory_space<vmem>>[vector<16xi32>, vector<16xi32>], vector<16xf32>,
        %mul3A_158 = arith.mulf %mul3A_79, %gather3A_157 : vector<16xf32>
        %add3A_159 = arith.addf %add3A_149, %mul3A_158 : vector<16xf32>
        %broadcast_in_dim3A_160 = arith.constant 1 : i32
        %broadcast_in_dim3A_161 = vector.broadcast %broadcast_in_dim3A_160 : i32 to vector<16xi32>
        tpu.vector_store_idx %arg14[%add3A_53, %broadcast_in_dim3A_161], %add3A_154 : memref<1008x8xf32, #tpu.memory_space<vmem>>[vector<16xi32>, vector<16xi32>], vector<16xf32>,
        %broadcast_in_dim3A_162 = arith.constant 5 : i32
        %broadcast_in_dim3A_163 = vector.broadcast %broadcast_in_dim3A_162 : i32 to vector<16xi32>
        tpu.vector_store_idx %arg14[%add3A_53, %broadcast_in_dim3A_163], %add3A_159 : memref<1008x8xf32, #tpu.memory_space<vmem>>[vector<16xi32>, vector<16xi32>], vector<16xf32>,
        %broadcast_in_dim3A_164 = arith.constant 2 : i32
        %broadcast_in_dim3A_165 = vector.broadcast %broadcast_in_dim3A_164 : i32 to vector<16xi32>
        %gather3A_166 = tpu.vector_load_idx %arg13[%add3A_53, %broadcast_in_dim3A_165] : memref<1008x32xf32, #tpu.memory_space<vmem>>[vector<16xi32>, vector<16xi32>], vector<16xf32>,
        %mul3A_167 = arith.mulf %mul3A_58, %gather3A_166 : vector<16xf32>
        %broadcast_in_dim3A_168 = arith.constant 18 : i32
        %broadcast_in_dim3A_169 = vector.broadcast %broadcast_in_dim3A_168 : i32 to vector<16xi32>
        %gather3A_170 = tpu.vector_load_idx %arg13[%add3A_53, %broadcast_in_dim3A_169] : memref<1008x32xf32, #tpu.memory_space<vmem>>[vector<16xi32>, vector<16xi32>], vector<16xf32>,
        %mul3A_171 = arith.mulf %mul3A_58, %gather3A_170 : vector<16xf32>
        %broadcast_in_dim3A_172 = arith.constant 6 : i32
        %broadcast_in_dim3A_173 = vector.broadcast %broadcast_in_dim3A_172 : i32 to vector<16xi32>
        %gather3A_174 = tpu.vector_load_idx %arg13[%add3A_53, %broadcast_in_dim3A_173] : memref<1008x32xf32, #tpu.memory_space<vmem>>[vector<16xi32>, vector<16xi32>], vector<16xf32>,
        %mul3A_175 = arith.mulf %mul3A_65, %gather3A_174 : vector<16xf32>
        %add3A_176 = arith.addf %mul3A_167, %mul3A_175 : vector<16xf32>
        %broadcast_in_dim3A_177 = arith.constant 22 : i32
        %broadcast_in_dim3A_178 = vector.broadcast %broadcast_in_dim3A_177 : i32 to vector<16xi32>
        %gather3A_179 = tpu.vector_load_idx %arg13[%add3A_53, %broadcast_in_dim3A_178] : memref<1008x32xf32, #tpu.memory_space<vmem>>[vector<16xi32>, vector<16xi32>], vector<16xf32>,
        %mul3A_180 = arith.mulf %mul3A_65, %gather3A_179 : vector<16xf32>
        %add3A_181 = arith.addf %mul3A_171, %mul3A_180 : vector<16xf32>
        %broadcast_in_dim3A_182 = arith.constant 10 : i32
        %broadcast_in_dim3A_183 = vector.broadcast %broadcast_in_dim3A_182 : i32 to vector<16xi32>
        %gather3A_184 = tpu.vector_load_idx %arg13[%add3A_53, %broadcast_in_dim3A_183] : memref<1008x32xf32, #tpu.memory_space<vmem>>[vector<16xi32>, vector<16xi32>], vector<16xf32>,
        %mul3A_185 = arith.mulf %mul3A_72, %gather3A_184 : vector<16xf32>
        %add3A_186 = arith.addf %add3A_176, %mul3A_185 : vector<16xf32>
        %broadcast_in_dim3A_187 = arith.constant 26 : i32
        %broadcast_in_dim3A_188 = vector.broadcast %broadcast_in_dim3A_187 : i32 to vector<16xi32>
        %gather3A_189 = tpu.vector_load_idx %arg13[%add3A_53, %broadcast_in_dim3A_188] : memref<1008x32xf32, #tpu.memory_space<vmem>>[vector<16xi32>, vector<16xi32>], vector<16xf32>,
        %mul3A_190 = arith.mulf %mul3A_72, %gather3A_189 : vector<16xf32>
        %add3A_191 = arith.addf %add3A_181, %mul3A_190 : vector<16xf32>
        %broadcast_in_dim3A_192 = arith.constant 14 : i32
        %broadcast_in_dim3A_193 = vector.broadcast %broadcast_in_dim3A_192 : i32 to vector<16xi32>
        %gather3A_194 = tpu.vector_load_idx %arg13[%add3A_53, %broadcast_in_dim3A_193] : memref<1008x32xf32, #tpu.memory_space<vmem>>[vector<16xi32>, vector<16xi32>], vector<16xf32>,
        %mul3A_195 = arith.mulf %mul3A_79, %gather3A_194 : vector<16xf32>
        %add3A_196 = arith.addf %add3A_186, %mul3A_195 : vector<16xf32>
        %broadcast_in_dim3A_197 = arith.constant 30 : i32
        %broadcast_in_dim3A_198 = vector.broadcast %broadcast_in_dim3A_197 : i32 to vector<16xi32>
        %gather3A_199 = tpu.vector_load_idx %arg13[%add3A_53, %broadcast_in_dim3A_198] : memref<1008x32xf32, #tpu.memory_space<vmem>>[vector<16xi32>, vector<16xi32>], vector<16xf32>,
        %mul3A_200 = arith.mulf %mul3A_79, %gather3A_199 : vector<16xf32>
        %add3A_201 = arith.addf %add3A_191, %mul3A_200 : vector<16xf32>
        %broadcast_in_dim3A_202 = arith.constant 2 : i32
        %broadcast_in_dim3A_203 = vector.broadcast %broadcast_in_dim3A_202 : i32 to vector<16xi32>
        tpu.vector_store_idx %arg14[%add3A_53, %broadcast_in_dim3A_203], %add3A_196 : memref<1008x8xf32, #tpu.memory_space<vmem>>[vector<16xi32>, vector<16xi32>], vector<16xf32>,
        %broadcast_in_dim3A_204 = arith.constant 6 : i32
        %broadcast_in_dim3A_205 = vector.broadcast %broadcast_in_dim3A_204 : i32 to vector<16xi32>
        tpu.vector_store_idx %arg14[%add3A_53, %broadcast_in_dim3A_205], %add3A_201 : memref<1008x8xf32, #tpu.memory_space<vmem>>[vector<16xi32>, vector<16xi32>], vector<16xf32>,
        %broadcast_in_dim3A_206 = arith.constant 3 : i32
        %broadcast_in_dim3A_207 = vector.broadcast %broadcast_in_dim3A_206 : i32 to vector<16xi32>
        %gather3A_208 = tpu.vector_load_idx %arg13[%add3A_53, %broadcast_in_dim3A_207] : memref<1008x32xf32, #tpu.memory_space<vmem>>[vector<16xi32>, vector<16xi32>], vector<16xf32>,
        %mul3A_209 = arith.mulf %mul3A_58, %gather3A_208 : vector<16xf32>
        %broadcast_in_dim3A_210 = arith.constant 19 : i32
        %broadcast_in_dim3A_211 = vector.broadcast %broadcast_in_dim3A_210 : i32 to vector<16xi32>
        %gather3A_212 = tpu.vector_load_idx %arg13[%add3A_53, %broadcast_in_dim3A_211] : memref<1008x32xf32, #tpu.memory_space<vmem>>[vector<16xi32>, vector<16xi32>], vector<16xf32>,
        %mul3A_213 = arith.mulf %mul3A_58, %gather3A_212 : vector<16xf32>
        %broadcast_in_dim3A_214 = arith.constant 7 : i32
        %broadcast_in_dim3A_215 = vector.broadcast %broadcast_in_dim3A_214 : i32 to vector<16xi32>
        %gather3A_216 = tpu.vector_load_idx %arg13[%add3A_53, %broadcast_in_dim3A_215] : memref<1008x32xf32, #tpu.memory_space<vmem>>[vector<16xi32>, vector<16xi32>], vector<16xf32>,
        %mul3A_217 = arith.mulf %mul3A_65, %gather3A_216 : vector<16xf32>
        %add3A_218 = arith.addf %mul3A_209, %mul3A_217 : vector<16xf32>
        %broadcast_in_dim3A_219 = arith.constant 23 : i32
        %broadcast_in_dim3A_220 = vector.broadcast %broadcast_in_dim3A_219 : i32 to vector<16xi32>
        %gather3A_221 = tpu.vector_load_idx %arg13[%add3A_53, %broadcast_in_dim3A_220] : memref<1008x32xf32, #tpu.memory_space<vmem>>[vector<16xi32>, vector<16xi32>], vector<16xf32>,
        %mul3A_222 = arith.mulf %mul3A_65, %gather3A_221 : vector<16xf32>
        %add3A_223 = arith.addf %mul3A_213, %mul3A_222 : vector<16xf32>
        %broadcast_in_dim3A_224 = arith.constant 11 : i32
        %broadcast_in_dim3A_225 = vector.broadcast %broadcast_in_dim3A_224 : i32 to vector<16xi32>
        %gather3A_226 = tpu.vector_load_idx %arg13[%add3A_53, %broadcast_in_dim3A_225] : memref<1008x32xf32, #tpu.memory_space<vmem>>[vector<16xi32>, vector<16xi32>], vector<16xf32>,
        %mul3A_227 = arith.mulf %mul3A_72, %gather3A_226 : vector<16xf32>
        %add3A_228 = arith.addf %add3A_218, %mul3A_227 : vector<16xf32>
        %broadcast_in_dim3A_229 = arith.constant 27 : i32
        %broadcast_in_dim3A_230 = vector.broadcast %broadcast_in_dim3A_229 : i32 to vector<16xi32>
        %gather3A_231 = tpu.vector_load_idx %arg13[%add3A_53, %broadcast_in_dim3A_230] : memref<1008x32xf32, #tpu.memory_space<vmem>>[vector<16xi32>, vector<16xi32>], vector<16xf32>,
        %mul3A_232 = arith.mulf %mul3A_72, %gather3A_231 : vector<16xf32>
        %add3A_233 = arith.addf %add3A_223, %mul3A_232 : vector<16xf32>
        %broadcast_in_dim3A_234 = arith.constant 15 : i32
        %broadcast_in_dim3A_235 = vector.broadcast %broadcast_in_dim3A_234 : i32 to vector<16xi32>
        %gather3A_236 = tpu.vector_load_idx %arg13[%add3A_53, %broadcast_in_dim3A_235] : memref<1008x32xf32, #tpu.memory_space<vmem>>[vector<16xi32>, vector<16xi32>], vector<16xf32>,
        %mul3A_237 = arith.mulf %mul3A_79, %gather3A_236 : vector<16xf32>
        %add3A_238 = arith.addf %add3A_228, %mul3A_237 : vector<16xf32>
        %broadcast_in_dim3A_239 = arith.constant 31 : i32
        %broadcast_in_dim3A_240 = vector.broadcast %broadcast_in_dim3A_239 : i32 to vector<16xi32>
        %gather3A_241 = tpu.vector_load_idx %arg13[%add3A_53, %broadcast_in_dim3A_240] : memref<1008x32xf32, #tpu.memory_space<vmem>>[vector<16xi32>, vector<16xi32>], vector<16xf32>,
        %mul3A_242 = arith.mulf %mul3A_79, %gather3A_241 : vector<16xf32>
        %add3A_243 = arith.addf %add3A_233, %mul3A_242 : vector<16xf32>
        %broadcast_in_dim3A_244 = arith.constant 3 : i32
        %broadcast_in_dim3A_245 = vector.broadcast %broadcast_in_dim3A_244 : i32 to vector<16xi32>
        tpu.vector_store_idx %arg14[%add3A_53, %broadcast_in_dim3A_245], %add3A_238 : memref<1008x8xf32, #tpu.memory_space<vmem>>[vector<16xi32>, vector<16xi32>], vector<16xf32>,
        %broadcast_in_dim3A_246 = arith.constant 7 : i32
        %broadcast_in_dim3A_247 = vector.broadcast %broadcast_in_dim3A_246 : i32 to vector<16xi32>
        tpu.vector_store_idx %arg14[%add3A_53, %broadcast_in_dim3A_247], %add3A_243 : memref<1008x8xf32, #tpu.memory_space<vmem>>[vector<16xi32>, vector<16xi32>], vector<16xf32>,
      }
      %scan3A_48 = arith.constant 63 : i32
      "tpu.region"() ({
        %run_scoped3A = tpu.sem_alloc : memref<!tpu.dma_semaphore, #tpu.memory_space<semaphore_mem>>
        %dma_start3A_49 = arith.constant 0 : i32
        %dma_start3A_50 = arith.constant 0 : i32
        %dma_start3A_51 = tpu.memref_slice %arg14[%dma_start3A_49, %dma_start3A_50] : memref<1008x8xf32, #tpu.memory_space<vmem>> -> memref<1000x8xf32, #tpu.memory_space<vmem>>
        %dma_start3A_52 = arith.constant 0 : i32
        %dma_start3A_53 = arith.constant 0 : i32
        %dma_start3A_54 = tpu.memref_slice %arg15[%dma_start3A_52, %dma_start3A_53] : memref<50048x8xf32, #tpu.memory_space<vmem_shared>> -> memref<50048x8xf32, #tpu.memory_space<vmem_shared>>
        tpu.enqueue_indirect_dma source(%dma_start3A_51 : memref<1000x8xf32, #tpu.memory_space<vmem>>) target(%dma_start3A_54 : memref<50048x8xf32, #tpu.memory_space<vmem_shared>>) offsets(%arg10 : memref<1000xi32, #tpu.memory_space<vmem>>) semaphore(%run_scoped3A : memref<!tpu.dma_semaphore, #tpu.memory_space<semaphore_mem>>) {add = true}
        %dma_wait3A_55 = arith.constant 0 : i32
        %dma_wait3A_56 = arith.constant 0 : i32
        %dma_wait3A_57 = tpu.memref_slice %arg14[%dma_wait3A_55, %dma_wait3A_56] : memref<1008x8xf32, #tpu.memory_space<vmem>> -> memref<1000x8xf32, #tpu.memory_space<vmem>>
        %dma_wait3A_58 = arith.constant 0 : i32
        %dma_wait3A_59 = arith.constant 0 : i32
        %dma_wait3A_60 = tpu.memref_slice %arg15[%dma_wait3A_58, %dma_wait3A_59] : memref<50048x8xf32, #tpu.memory_space<vmem_shared>> -> memref<50048x8xf32, #tpu.memory_space<vmem_shared>>
        tpu.wait_indirect_dma semaphore(%run_scoped3A : memref<!tpu.dma_semaphore, #tpu.memory_space<semaphore_mem>>) src(%dma_wait3A_57 : memref<1000x8xf32, #tpu.memory_space<vmem>>) dst(%dma_wait3A_60 : memref<50048x8xf32, #tpu.memory_space<vmem_shared>>)
        tpu.yield
      }) : () -> ()
    }
    %scan3A_9 = arith.constant 25 : i32
    %barrier3A_10 = arith.constant 0 : index
    tpu.barrier barrier_id(%barrier3A_10)
    %mul3A_11 = arith.constant 3128 : i32
    %mul3A_12 = arith.muli %arg1, %mul3A_11 : i32
    %mul3A_13 = arith.constant 3128 : i32
    %mul3A_14 = arith.muli %arg1, %mul3A_13 : i32
    "tpu.region"() ({
      %run_scoped3A = tpu.sem_alloc : memref<!tpu.dma_semaphore, #tpu.memory_space<semaphore_mem>>
      %dma_start3A = arith.constant 0 : i32
      %dma_start3A_15 = tpu.memref_slice %arg8[%arg0, %mul3A_14, %dma_start3A] : memref<2x50048x8xf32, #tpu.memory_space<hbm>> -> memref<1x3128x8xf32, #tpu.memory_space<hbm>>
      %dma_start3A_16 = tpu.memref_squeeze %dma_start3A_15 : memref<1x3128x8xf32, #tpu.memory_space<hbm>> -> memref<3128x8xf32, #tpu.memory_space<hbm>>
      %dma_start3A_17 = arith.constant 0 : i32
      %dma_start3A_18 = tpu.memref_slice %arg15[%mul3A_12, %dma_start3A_17] : memref<50048x8xf32, #tpu.memory_space<vmem_shared>> -> memref<3128x8xf32, #tpu.memory_space<vmem_shared>>
      tpu.enqueue_dma source(%dma_start3A_18 : memref<3128x8xf32, #tpu.memory_space<vmem_shared>>) target(%dma_start3A_16 : memref<3128x8xf32, #tpu.memory_space<hbm>>) target_semaphore(%run_scoped3A : memref<!tpu.dma_semaphore, #tpu.memory_space<semaphore_mem>>)
      %dma_wait3A = arith.constant 0 : i32
      %dma_wait3A_19 = tpu.memref_slice %arg8[%arg0, %mul3A_14, %dma_wait3A] : memref<2x50048x8xf32, #tpu.memory_space<hbm>> -> memref<1x3128x8xf32, #tpu.memory_space<hbm>>
      %dma_wait3A_20 = tpu.memref_squeeze %dma_wait3A_19 : memref<1x3128x8xf32, #tpu.memory_space<hbm>> -> memref<3128x8xf32, #tpu.memory_space<hbm>>
      %dma_wait3A_21 = arith.constant 0 : i32
      %dma_wait3A_22 = tpu.memref_slice %arg15[%mul3A_12, %dma_wait3A_21] : memref<50048x8xf32, #tpu.memory_space<vmem_shared>> -> memref<3128x8xf32, #tpu.memory_space<vmem_shared>>
      tpu.wait_dma2 semaphore(%run_scoped3A : memref<!tpu.dma_semaphore, #tpu.memory_space<semaphore_mem>>) src(%dma_wait3A_22 : memref<3128x8xf32, #tpu.memory_space<vmem_shared>>) dst(%dma_wait3A_20 : memref<3128x8xf32, #tpu.memory_space<hbm>>)
      tpu.yield
    }) : () -> ()
    return
  }
}

module attributes {stable_mosaic.version = 14 : i64} {
  func.func @_t1_body(%arg0: i32, %arg1: memref<400x128xf32, #tpu.memory_space<vmem>>, %arg2: memref<128x2048xf32, #tpu.memory_space<vmem>>, %arg3: memref<1x2048xf32, #tpu.memory_space<vmem>>, %arg4: memref<1x128xf32, #tpu.memory_space<vmem>>, %arg5: memref<2048x128xf32, #tpu.memory_space<vmem>>, %arg6: memref<400x128xf32, #tpu.memory_space<vmem>>) attributes {dimension_semantics = [#tpu.dimension_semantics<arbitrary>], iteration_bounds = array<i64: 250>, scalar_prefetch = 0 : i64, scratch_operands = 0 : i64, tpu.core_type = #tpu.core_type<tc>, window_params = [{transform_indices = @transform_0, window_bounds = array<i64: 400, 128>}, {pipeline_mode = #tpu.pipeline_mode<synchronous>, transform_indices = @transform_1, window_bounds = array<i64: 128, 2048>}, {pipeline_mode = #tpu.pipeline_mode<synchronous>, transform_indices = @transform_2, window_bounds = array<i64: 1, 2048>}, {pipeline_mode = #tpu.pipeline_mode<synchronous>, transform_indices = @transform_3, window_bounds = array<i64: 1, 128>}, {pipeline_mode = #tpu.pipeline_mode<synchronous>, transform_indices = @transform_4, window_bounds = array<i64: 2048, 128>}, {transform_indices = @transform_5, window_bounds = array<i64: 400, 128>}]} {
    %get3A = arith.constant 0 : index
    %get3A_0 = arith.constant 0 : index
    %get3A_1 = vector.load %arg1[%get3A, %get3A_0] : memref<400x128xf32, #tpu.memory_space<vmem>>, vector<400x128xf32>
    %get3A_2 = arith.constant 0 : index
    %get3A_3 = arith.constant 0 : index
    %get3A_4 = vector.load %arg2[%get3A_2, %get3A_3] : memref<128x2048xf32, #tpu.memory_space<vmem>>, vector<128x2048xf32>
    %dot_general3A = arith.constant dense<0.000000e+00> : vector<400x2048xf32>
    %dot_general3A_5 = tpu.matmul %get3A_1, %get3A_4, %dot_general3A {dimension_numbers = #tpu.dot_dimension_numbers<[1], [0], [0], [1], [0, 0, 1, 1], [], []>, transpose_lhs_hint = false} : vector<400x128xf32>, vector<128x2048xf32>, vector<400x2048xf32> -> vector<400x2048xf32>
    %get3A_6 = arith.constant 0 : index
    %get3A_7 = arith.constant 0 : index
    %get3A_8 = vector.load %arg3[%get3A_6, %get3A_7] : memref<1x2048xf32, #tpu.memory_space<vmem>>, vector<1x2048xf32>
    %add3A = vector.broadcast %get3A_8 : vector<1x2048xf32> to vector<400x2048xf32>
    %add3A_9 = arith.addf %dot_general3A_5, %add3A : vector<400x2048xf32>
    %ge3A = arith.constant 0.000000e+00 : f32
    %ge3A_10 = vector.broadcast %ge3A : f32 to vector<400x2048xf32>
    %ge3A_11 = arith.cmpf oge, %add3A_9, %ge3A_10 : vector<400x2048xf32>
    %mul3A = arith.constant 0.00999999977 : f32
    %mul3A_12 = vector.broadcast %mul3A : f32 to vector<400x2048xf32>
    %mul3A_13 = arith.mulf %mul3A_12, %add3A_9 : vector<400x2048xf32>
    %select_n3A = arith.select %ge3A_11, %add3A_9, %mul3A_13 : vector<400x2048xi1>, vector<400x2048xf32>
    %get3A_14 = arith.constant 0 : index
    %get3A_15 = arith.constant 0 : index
    %get3A_16 = vector.load %arg5[%get3A_14, %get3A_15] : memref<2048x128xf32, #tpu.memory_space<vmem>>, vector<2048x128xf32>
    %dot_general3A_17 = arith.constant dense<0.000000e+00> : vector<400x128xf32>
    %dot_general3A_18 = tpu.matmul %select_n3A, %get3A_16, %dot_general3A_17 {dimension_numbers = #tpu.dot_dimension_numbers<[1], [0], [0], [1], [0, 0, 1, 1], [], []>, transpose_lhs_hint = false} : vector<400x2048xf32>, vector<2048x128xf32>, vector<400x128xf32> -> vector<400x128xf32>
    %get3A_19 = arith.constant 0 : index
    %get3A_20 = arith.constant 0 : index
    %get3A_21 = vector.load %arg4[%get3A_19, %get3A_20] : memref<1x128xf32, #tpu.memory_space<vmem>>, vector<1x128xf32>
    %add3A_22 = vector.broadcast %get3A_21 : vector<1x128xf32> to vector<400x128xf32>
    %add3A_23 = arith.addf %dot_general3A_18, %add3A_22 : vector<400x128xf32>
    %iota3A = tpu.iota {dimensions = array<i32: 1>} : vector<400x128xi32>
    %jit3A = arith.constant 16 : i32
    %eq3A = arith.constant 0 : i32
    %eq3A_24 = arith.cmpi eq, %jit3A, %eq3A : i32
    %jit3A_25 = arith.constant 1 : i32
    %select_n3A_26 = arith.select %eq3A_24, %jit3A_25, %jit3A : i32
    %rem3A = vector.broadcast %select_n3A_26 : i32 to vector<400x128xi32>
    %rem3A_27 = arith.remsi %iota3A, %rem3A : vector<400x128xi32>
    %ne3A = arith.constant 0 : i32
    %ne3A_28 = vector.broadcast %ne3A : i32 to vector<400x128xi32>
    %ne3A_29 = arith.cmpi ne, %rem3A_27, %ne3A_28 : vector<400x128xi32>
    %lt3A = arith.constant 0 : i32
    %lt3A_30 = vector.broadcast %lt3A : i32 to vector<400x128xi32>
    %lt3A_31 = arith.cmpi slt, %rem3A_27, %lt3A_30 : vector<400x128xi32>
    %lt3A_32 = arith.constant 0 : i32
    %lt3A_33 = arith.cmpi slt, %select_n3A_26, %lt3A_32 : i32
    %ne3A_34 = vector.broadcast %lt3A_33 : i1 to vector<400x128xi1>
    %ne3A_35 = vector.broadcast %ne3A_34 : vector<400x128xi1> to vector<400x128xi1>
    %ne3A_36 = arith.xori %lt3A_31, %ne3A_35 : vector<400x128xi1>
    %and3A = arith.andi %ne3A_36, %ne3A_29 : vector<400x128xi1>
    %add3A_37 = vector.broadcast %select_n3A_26 : i32 to vector<400x128xi32>
    %add3A_38 = arith.addi %rem3A_27, %add3A_37 : vector<400x128xi32>
    %select_n3A_39 = arith.select %and3A, %add3A_38, %rem3A_27 : vector<400x128xi1>, vector<400x128xi32>
    %lt3A_40 = arith.constant 4 : i32
    %lt3A_41 = vector.broadcast %lt3A_40 : i32 to vector<400x128xi32>
    %lt3A_42 = arith.cmpi slt, %select_n3A_39, %lt3A_41 : vector<400x128xi32>
    %exp3A = math.exp %add3A_23 : vector<400x128xf32>
    %select_n3A_43 = arith.select %lt3A_42, %exp3A, %add3A_23 : vector<400x128xi1>, vector<400x128xf32>
    %swap3A = arith.constant 0 : index
    %swap3A_44 = arith.constant 0 : index
    %swap3A_45 = vector.load %arg6[%swap3A, %swap3A_44] : memref<400x128xf32, #tpu.memory_space<vmem>>, vector<400x128xf32>
    tpu.vector_store %arg6[%swap3A, %swap3A_44], %select_n3A_43 {strides = array<i32>} : memref<400x128xf32, #tpu.memory_space<vmem>>, vector<400x128xf32>,
    return
  }
  func.func @transform_0(%arg0: i32) -> (i32, i32) {
    %c0_i32 = arith.constant 0 : i32
    %c0_i32_0 = arith.constant 0 : i32
    return %arg0, %c0_i32 : i32, i32
  }
  func.func @transform_1(%arg0: i32) -> (i32, i32) {
    %c0_i32 = arith.constant 0 : i32
    %c0_i32_0 = arith.constant 0 : i32
    %c0_i32_1 = arith.constant 0 : i32
    return %c0_i32, %c0_i32_0 : i32, i32
  }
  func.func @transform_2(%arg0: i32) -> (i32, i32) {
    %c0_i32 = arith.constant 0 : i32
    %c0_i32_0 = arith.constant 0 : i32
    %c0_i32_1 = arith.constant 0 : i32
    return %c0_i32, %c0_i32_0 : i32, i32
  }
  func.func @transform_3(%arg0: i32) -> (i32, i32) {
    %c0_i32 = arith.constant 0 : i32
    %c0_i32_0 = arith.constant 0 : i32
    %c0_i32_1 = arith.constant 0 : i32
    return %c0_i32, %c0_i32_0 : i32, i32
  }
  func.func @transform_4(%arg0: i32) -> (i32, i32) {
    %c0_i32 = arith.constant 0 : i32
    %c0_i32_0 = arith.constant 0 : i32
    %c0_i32_1 = arith.constant 0 : i32
    return %c0_i32, %c0_i32_0 : i32, i32
  }
  func.func @transform_5(%arg0: i32) -> (i32, i32) {
    %c0_i32 = arith.constant 0 : i32
    %c0_i32_0 = arith.constant 0 : i32
    return %arg0, %c0_i32 : i32, i32
  }
}

module attributes {stable_mosaic.version = 14 : i64} {
  func.func @_t0_body(%arg0: i32, %arg1: memref<2000x8xf32, #tpu.memory_space<vmem>>, %arg2: memref<8x32xf32, #tpu.memory_space<vmem>>, %arg3: memref<2000x32xf32, #tpu.memory_space<vmem>>) attributes {dimension_semantics = [#tpu.dimension_semantics<arbitrary>], iteration_bounds = array<i64: 25>, scalar_prefetch = 0 : i64, scratch_operands = 0 : i64, tpu.core_type = #tpu.core_type<tc>, window_params = [{transform_indices = @transform_0, window_bounds = array<i64: 2000, 8>}, {pipeline_mode = #tpu.pipeline_mode<synchronous>, transform_indices = @transform_1, window_bounds = array<i64: 8, 32>}, {transform_indices = @transform_2, window_bounds = array<i64: 2000, 32>}]} {
    %get3A = arith.constant 0 : index
    %get3A_0 = arith.constant 0 : index
    %get3A_1 = vector.load %arg1[%get3A, %get3A_0] : memref<2000x8xf32, #tpu.memory_space<vmem>>, vector<2000x8xf32>
    %get3A_2 = arith.constant 0 : index
    %get3A_3 = arith.constant 0 : index
    %get3A_4 = vector.load %arg2[%get3A_2, %get3A_3] : memref<8x32xf32, #tpu.memory_space<vmem>>, vector<8x32xf32>
    %dot_general3A = arith.constant dense<0.000000e+00> : vector<2000x32xf32>
    %dot_general3A_5 = tpu.matmul %get3A_1, %get3A_4, %dot_general3A {dimension_numbers = #tpu.dot_dimension_numbers<[1], [0], [0], [1], [0, 0, 1, 1], [], []>, transpose_lhs_hint = false} : vector<2000x8xf32>, vector<8x32xf32>, vector<2000x32xf32> -> vector<2000x32xf32>
    %swap3A = arith.constant 0 : index
    %swap3A_6 = arith.constant 0 : index
    %swap3A_7 = vector.load %arg3[%swap3A, %swap3A_6] : memref<2000x32xf32, #tpu.memory_space<vmem>>, vector<2000x32xf32>
    tpu.vector_store %arg3[%swap3A, %swap3A_6], %dot_general3A_5 {strides = array<i32>} : memref<2000x32xf32, #tpu.memory_space<vmem>>, vector<2000x32xf32>,
    return
  }
  func.func @transform_0(%arg0: i32) -> (i32, i32) {
    %c0_i32 = arith.constant 0 : i32
    %c0_i32_0 = arith.constant 0 : i32
    return %arg0, %c0_i32 : i32, i32
  }
  func.func @transform_1(%arg0: i32) -> (i32, i32) {
    %c0_i32 = arith.constant 0 : i32
    %c0_i32_0 = arith.constant 0 : i32
    %c0_i32_1 = arith.constant 0 : i32
    return %c0_i32, %c0_i32_0 : i32, i32
  }
  func.func @transform_2(%arg0: i32) -> (i32, i32) {
    %c0_i32 = arith.constant 0 : i32
    %c0_i32_0 = arith.constant 0 : i32
    return %arg0, %c0_i32 : i32, i32
  }
}

module attributes {stable_mosaic.version = 14 : i64} {
  func.func @_t2_body(%arg0: memref<2x1564x512xf32, #tpu.memory_space<vmem>>, %arg1: memref<1564x512xf32, #tpu.memory_space<vmem>>) attributes {dimension_semantics = [], scalar_prefetch = 0 : i64, scratch_operands = 0 : i64, tpu.core_type = #tpu.core_type<tc>} {
    %get3A = arith.constant 0 : index
    %get3A_0 = arith.constant 0 : index
    %get3A_1 = arith.constant 0 : index
    %get3A_2 = vector.load %arg0[%get3A, %get3A_0, %get3A_1] : memref<2x1564x512xf32, #tpu.memory_space<vmem>>, vector<1x1564x512xf32>
    %get3A_3 = vector.shape_cast %get3A_2 : vector<1x1564x512xf32> to vector<1564x512xf32>
    %get3A_4 = arith.constant 1 : index
    %get3A_5 = arith.constant 0 : index
    %get3A_6 = arith.constant 0 : index
    %get3A_7 = vector.load %arg0[%get3A_4, %get3A_5, %get3A_6] : memref<2x1564x512xf32, #tpu.memory_space<vmem>>, vector<1x1564x512xf32>
    %get3A_8 = vector.shape_cast %get3A_7 : vector<1x1564x512xf32> to vector<1564x512xf32>
    %add3A = arith.addf %get3A_3, %get3A_8 : vector<1564x512xf32>
    %add3A_9 = arith.constant 1.000000e-16 : f32
    %add3A_10 = vector.broadcast %add3A_9 : f32 to vector<1564x512xf32>
    %add3A_11 = arith.addf %add3A, %add3A_10 : vector<1564x512xf32>
    %div3A = arith.constant 1.000000e+00 : f32
    %div3A_12 = vector.broadcast %div3A : f32 to vector<1564x512xf32>
    %div3A_13 = arith.divf %div3A_12, %add3A_11 : vector<1564x512xf32>
    %swap3A = arith.constant 0 : index
    %swap3A_14 = arith.constant 0 : index
    %swap3A_15 = vector.load %arg1[%swap3A, %swap3A_14] : memref<1564x512xf32, #tpu.memory_space<vmem>>, vector<1564x512xf32>
    tpu.vector_store %arg1[%swap3A, %swap3A_14], %div3A_13 {strides = array<i32>} : memref<1564x512xf32, #tpu.memory_space<vmem>>, vector<1564x512xf32>,
    return
  }
}

module attributes {stable_mosaic.version = 14 : i64} {
  func.func @_t3_body(%arg0: memref<2x782x512xf32, #tpu.memory_space<vmem>>, %arg1: memref<782x512xf32, #tpu.memory_space<vmem>>) attributes {dimension_semantics = [], scalar_prefetch = 0 : i64, scratch_operands = 0 : i64, tpu.core_type = #tpu.core_type<tc>} {
    %get3A = arith.constant 0 : index
    %get3A_0 = arith.constant 0 : index
    %get3A_1 = arith.constant 0 : index
    %get3A_2 = vector.load %arg0[%get3A, %get3A_0, %get3A_1] : memref<2x782x512xf32, #tpu.memory_space<vmem>>, vector<1x782x512xf32>
    %get3A_3 = vector.shape_cast %get3A_2 : vector<1x782x512xf32> to vector<782x512xf32>
    %get3A_4 = arith.constant 1 : index
    %get3A_5 = arith.constant 0 : index
    %get3A_6 = arith.constant 0 : index
    %get3A_7 = vector.load %arg0[%get3A_4, %get3A_5, %get3A_6] : memref<2x782x512xf32, #tpu.memory_space<vmem>>, vector<1x782x512xf32>
    %get3A_8 = vector.shape_cast %get3A_7 : vector<1x782x512xf32> to vector<782x512xf32>
    %add3A = arith.addf %get3A_3, %get3A_8 : vector<782x512xf32>
    %swap3A = arith.constant 0 : index
    %swap3A_9 = arith.constant 0 : index
    %swap3A_10 = vector.load %arg1[%swap3A, %swap3A_9] : memref<782x512xf32, #tpu.memory_space<vmem>>, vector<782x512xf32>
    tpu.vector_store %arg1[%swap3A, %swap3A_9], %add3A {strides = array<i32>} : memref<782x512xf32, #tpu.memory_space<vmem>>, vector<782x512xf32>,
    return
  }
}

</mosaic_0001>

<sc_bundles>
// kernel: kernel.10.cloned.1.call-start
scs
__scs_entry_jumppad:
0x0: {  	(pc) =	sbr.rel $0x88, $3  }
0x1: {  	(tag) =	ssettag $0x0;
	lr =	simm.s32 $0x1  }
0x2: {  	[smem:$0x3F90] =	sst lr;
	_ =	strace $0xD0000000  }
0x3: {  	_ = 	snop  }
0x4: {  	_ = 	snop  }
0x5: {  	_ = 	snop  }
0x6: {  	_ = 	snop  }
0x7: {  	_ = 	snop  }
__scs_overlays_trampoline_lowered:
0x8: {  	[smem:$0x3F9F] =	sst s0  }
0x9: {  	[smem:$0x3FA0] =	sst s1  }
0xa: {  	[smem:$0x3FA1] =	sst s2  }
0xb: {  	[smem:$0x3FA2] =	sst s3  }
0xc: {  	[smem:$0x3FA3] =	sst s4  }
0xd: {  	[smem:$0x3FA4] =	sst s5  }
0xe: {  	[smem:$0x3FA5] =	sst s6  }
0xf: {  	[smem:$0x3FA6] =	sst s7  }
0x10: {  	[smem:$0x3FA7] =	sst s8  }
0x11: {  	[smem:$0x3FA8] =	sst s9;
	s0 =	simm.s32 @!p0 $0x0  }
0x12: {  	s1 =	sld [smem:$0x3F8E];
	s0 =	simm.s32 @p0 $0x1  }
0x13: {  	[smem:$0x3FA9] =	sst s0;
	s0 =	simm.s32 @!p1 $0x0  }
0x14: {  	s2 =	sld [smem:$0x3F8D];
	s0 =	simm.s32 @p1 $0x1  }
0x15: {  	[smem:$0x3FAA] =	sst s0;
	s0 =	simm.s32 @!p2 $0x0  }
0x16: {  	s3 =	sld [smem:$0x3FDB];
	s0 =	simm.s32 @p2 $0x1  }
0x17: {  	s4 =	simm.s32 $0x1BF5;
	[smem:$0x3FAC] =	sst s0  }
0x18: {  	s0 =	sld [smem:$0x3F8F];
	_ =	swait.ge [sflag:s4], $0x0  }
0x19: {  	s7 =	sld [smem:$0x3F90]  }
0x1a: {  	s8 =	sadd.s32 $0xFFFFE003, lr  }
0x1b: {  	s9 =	sadd.s32 $0xFFFFFEF7, lr;
	s5 =	simm.s32 $0xFFFFFFFF;
	p2 =	slt.u32 s8, $0xFFFFF086  }
0x1c: {  	p1 =	slt.u32 s9, $0xF7A;
	s5 =	simm.s32 @!p2 $0x0  }
0x1d: {  	s5 =	simm.s32 @p1 $0x1;
	p0 =	seq.s32 s7, s2  }
0x1e: {  	s7 =	smul.u32 @!p0 $0xF7A, s2;
	p2 =	seq.s32 @!p0 s5, $0x0  }
0x1f: {  	s9 =	smul.u32 $0xF7A, s1;
	s8 =	simm.s32 @!p0 $0x1BF5;
	p2 =	por !p2, p0  }
0x20: {  	[sflag:s8] =	ssyncset.s32 @!p0 $0xFFFFF086;
	s6 =	sadd.s32 @!p0 s3, s7;
	s7 =	simm.s32 @!p0 $0x108  }
0x21: {  	s3 =	sadd.s32 s3, s9;
	s6 =	sadd.s32 @!p0 $0x88, s6;
	s7 =	simm.s32 @p2 $0x1082  }
0x22: {  	[simem:s7], [sflag:s8] =	dma.local @!p0 [hbm:s6], $0xF7A  }
0x23: {  	s9 =	sor.u32 $0xD0000000, s2;
	s6 =	simm.s32 $0x108;
	_ =	swait.ge @!p0 [sflag:s8], $0x0  }
0x24: {  	s3 =	sadd.s32 $0x88, s3;
	s6 =	simm.s32 @!p1 $0x1082;
	[sflag:s4] =	ssyncset.s32 $0xFFFFF086  }
0x25: {  	[simem:s6], [sflag:s4] =	dma.local [hbm:s3], $0xF7A  }
0x26: {  	[smem:$0x3F90] =	sst s1;
	(tag) =	ssettag s2;
	_ =	strace s9  }
0x27: {  	s1 =	sld [smem:$0x3FA0]  }
0x28: {  	s2 =	sld [smem:$0x3FA1]  }
0x29: {  	s4 =	sld [smem:$0x3FA3]  }
0x2a: {  	p0 =	seq.s32 s5, $0x0;
	s5 =	sld [smem:$0x3FA4]  }
0x2b: {  	s6 =	sld [smem:$0x3FA5]  }
0x2c: {  	s7 =	sld [smem:$0x3FA6]  }
0x2d: {  	s3 =	simm.s32 $0x108;
	s8 =	sld [smem:$0x3FA7]  }
0x2e: {  	s3 =	simm.s32 @!p0 $0x1082;
	s9 =	sld [smem:$0x3FA8]  }
0x2f: {  	lr =	sadd.s32 s0, s3;
	s0 =	sld [smem:$0x3F9F]  }
0x30: {  	s3 =	sld [smem:$0x3FA2]  }
0x31: {  	[smem:$0x3FAB] =	sst s10  }
0x32: {  	s10 =	sld [smem:$0x3FA9];
	_ =	sdelay $0x3  }
0x33: {  	p0 =	seq.s32 s10, $0x1;
	s10 =	sld [smem:$0x3FAB];
	_ =	sdelay $0x3  }
0x34: {  	[smem:$0x3FAB] =	sst s10  }
0x35: {  	s10 =	sld [smem:$0x3FAA];
	_ =	sdelay $0x3  }
0x36: {  	p1 =	seq.s32 s10, $0x1;
	s10 =	sld [smem:$0x3FAB];
	_ =	sdelay $0x3  }
0x37: {  	[smem:$0x3FAB] =	sst s10  }
0x38: {  	s10 =	sld [smem:$0x3FAC]  }
0x39: {  	_ = 	snop;
	(pc) =	sbr.ind lr, $3  }
0x3a: {  	_ = 	snop  }
0x3b: {  	_ = 	snop  }
0x3c: {  	p2 =	seq.s32 s10, $0x1;
	s10 =	sld [smem:$0x3FAB]  }
0x3d: {  	_ =	shalt  }
0x3e: {  	_ =	shalt  }
0x3f: {  	_ =	shalt  }
0x40: {  	_ =	shalt  }
0x41: {  	_ =	shalt  }
0x42: {  	_ =	shalt  }
0x43: {  	_ =	shalt  }
0x44: {  	_ =	shalt  }
0x45: {  	_ =	shalt  }
0x46: {  	_ =	shalt  }
0x47: {  	_ =	shalt  }
0x48: {  	_ =	shalt  }
0x49: {  	_ =	shalt  }
0x4a: {  	_ =	shalt  }
0x4b: {  	_ =	shalt  }
0x4c: {  	_ =	shalt  }
0x4d: {  	_ =	shalt  }
0x4e: {  	_ =	shalt  }
0x4f: {  	_ =	shalt  }
0x50: {  	_ =	shalt  }
0x51: {  	_ =	shalt  }
0x52: {  	_ =	shalt  }
0x53: {  	_ =	shalt  }
0x54: {  	_ =	shalt  }
0x55: {  	_ =	shalt  }
0x56: {  	_ =	shalt  }
0x57: {  	_ =	shalt  }
0x58: {  	_ =	shalt  }
0x59: {  	_ =	shalt  }
0x5a: {  	_ =	shalt  }
0x5b: {  	_ =	shalt  }
0x5c: {  	_ =	shalt  }
0x5d: {  	_ =	shalt  }
0x5e: {  	_ =	shalt  }
0x5f: {  	_ =	shalt  }
0x60: {  	_ =	shalt  }
0x61: {  	_ =	shalt  }
0x62: {  	_ =	shalt  }
0x63: {  	_ =	shalt  }
0x64: {  	_ =	shalt  }
0x65: {  	_ =	shalt  }
0x66: {  	_ =	shalt  }
0x67: {  	_ =	shalt  }
0x68: {  	_ =	shalt  }
0x69: {  	_ =	shalt  }
0x6a: {  	_ =	shalt  }
0x6b: {  	_ =	shalt  }
0x6c: {  	_ =	shalt  }
0x6d: {  	_ =	shalt  }
0x6e: {  	_ =	shalt  }
0x6f: {  	_ =	shalt  }
0x70: {  	_ =	shalt  }
0x71: {  	_ =	shalt  }
0x72: {  	_ =	shalt  }
0x73: {  	_ =	shalt  }
0x74: {  	_ =	shalt  }
0x75: {  	_ =	shalt  }
0x76: {  	_ =	shalt  }
0x77: {  	_ =	shalt  }
0x78: {  	_ =	shalt  }
0x79: {  	_ =	shalt  }
0x7a: {  	_ =	shalt  }
0x7b: {  	_ =	shalt  }
0x7c: {  	_ =	shalt  }
0x7d: {  	_ =	shalt  }
0x7e: {  	_ =	shalt  }
0x7f: {  	_ =	shalt  }
0x80: {  	_ =	shalt  }
0x81: {  	_ =	shalt  }
0x82: {  	_ =	shalt  }
0x83: {  	_ =	shalt  }
0x84: {  	_ =	shalt  }
0x85: {  	_ =	shalt  }
0x86: {  	_ =	shalt  }
0x87: {  	_ =	shalt  }
.Lfunc_end0:
.L_simem_size_0:
called_computation_lowered:
.L_overlay_start_0:
0x88: {  	s2 =	sld [smem:$0x3FD9]  }
0x89: {  	s3 =	sld [smem:$0x3FFE];
	_ =	sdelay $0x1  }
0x8a: {  	s1 =	srdreg.scid  }
0x8b: {  	s0 =	sand.u32 $0x1, s1  }
0x8c: {  	s16 =	sshll.u32 s0, $0xA;
	s2 =	sadd.s32 s3, s2  }
0x8d: {  	s2 =	sadd.s32 s2, s16  }
0x8e: {  	[smem:$0x3FB7] =	sst s2  }
0x8f: {  	_ = 	snop  }
0x90: {  	(tm) =	ssettm $0x1  }
0x91: {  	s17 =	sld [smem:$0x3FFB];
	_ =	sdelay $0x3  }
0x92: {  	_ =	strace s17  }
0x93: {  	s2 =	sld [smem:$0x3FFC];
	_ =	sdelay $0x3  }
0x94: {  	_ =	strace s2  }
0x95: {  	s2 =	sld [smem:$0x3FFD];
	_ =	sdelay $0x3  }
0x96: {  	_ =	strace s2  }
0x97: {  	_ =	strace $0x8FFFFFFF  }
0x98: {  	s18 =	sld [smem:$0x3FDB];
	_ =	sdelay $0x1  }
0x99: {  	s19 =	simm.s32 $_scs_section_size  }
0x9a: {  	s4 =	simm.s32 $_size__tile_overlayer_lowered;
	s5 =	simm.s32 $_tile_overlayer_lowered  }
0x9b: {  	s22 =	simm.s32 $0x1BFF;
	s21 =	sshll.u32 s5, $0x1;
	s2 =	sadd.s32 s19, s18  }
0x9c: {  	s6 =	simm.s32 $0x0;
	s20 =	sshll.u32 s4, $0x1;
	s4 =	sadd.s32 s21, s2  }
0x9d: {  	[timem:s6], [sflag:s22] =	dma.local [hbm:s4], s20  }
0x9e: {  	_ =	swait.ge [sflag:s22], s20  }
0x9f: {  	s3 =	ssub.s32 $0x0, s20;
	[sflag:s22] =	ssyncset.done $0x0  }
0xa0: {  	[sflag:s22] =	ssyncadd.s32 s3;
	_ =	sdelay $0x1  }
0xa1: {  	s23 =	simm.s32 $0x1B8B  }
0xa2: {  	_ =	swait.ge [sflag:s23], $0x1  }
0xa3: {  	[sflag:s23] =	ssyncset.done $0x0  }
0xa4: {  	s25 =	simm.s32 $0x1B8E;
	s24 =	sld [smem:$0x3FFE];
	[sflag:s23] =	ssyncadd.s32 $0xFFFFFFFF  }
0xa5: {  	s26 =	simm.s32 $execute0_lowered;
	[smem:$0x3FD2] =	sst s25  }
0xa6: {  	s4 =	sshll.u32 s26, $0x1;
	_ =	strace $0x80000046;
	[dreg:$0x1] =	wrdreg $0xFFFFFFFF  }
0xa7: {  	s28 =	simm.s32 $_size_execute0_lowered;
	s2 =	sadd.s32 s2, s4;
	[dreg:$0x0] =	wrdreg $0x0  }
0xa8: {  	s4 =	sshll.u32 s28, $0x1;
	[dreg:$0x2] =	wrdreg s2  }
0xa9: {  	[dreg:$0x3] =	wrdreg s4  }
0xaa: {  	[dreg:$0x4] =	wrdreg $0xC0  }
0xab: {  	_ =	task [dreg:s6], $0x5FFFF  }
0xac: {  	[dreg:$0x1] =	wrdreg $0xFFFFFFFF  }
0xad: {  	[dreg:$0x0] =	wrdreg $0x60  }
0xae: {  	[dreg:$0x2] =	wrdreg s24  }
0xaf: {  	[dreg:$0x3] =	wrdreg $0x9  }
0xb0: {  	_ =	task.clear_ibuf [dreg:s6], $0x4FFFF;
	_ =	strace $0x90000046  }
0xb1: {  	s29 =	simm.s32 $0x9;
	_ =	strace $0x80000048  }
0xb2: {  	_ =	swait.ge [sflag:s29], $0x1  }
0xb3: {  	[sflag:s29] =	ssyncadd.s32 $0xFFFFFFFF  }
0xb4: {  	_ =	strace $0x90000048  }
0xb5: {  	_ =	sfence  }
0xb6: {  	s30 =	sld [smem:$0x0];
	_ =	sdelay $0x2  }
0xb7: {  	s31 =	sshll.u32 s1, $0xD;
	s1 =	sshrl.u32 s1, $0x2  }
0xb8: {  	s3 =	sand.u32 $0x4000, s31;
	s1 =	sadd.s32 s1, s30  }
0xb9: {  	s0 =	sor.u32 s3, s0;
	s1 =	sshll.u32 s1, $0x11  }
0xba: {  	s0 =	sor.u32 s1, s0  }
0xbb: {  	s0 =	sadd.s32 $0x8F2B, s0  }
0xbc: {  	[sflag:s0] =	ssyncadd.remote.s32 $0x1  }
0xbd: {  	_ =	sfence.sel $0xFFFF  }
0xbe: {  	[dreg:$0x0] =	wrdreg $0xFFFFFFFF;
	(pc) =	sbr.abs _section_cstart, $3  }
0xbf: {  	[dreg:$0x1] =	wrdreg $0xFFFFFFFF  }
0xc0: {  	_ =	task.clear_ibuf [dreg:s6], $0x2FFFF;
	_ =	strace $0x9FFFFFFF  }
0xc1: {  	(tm) =	ssettm $0x7FFFFFFF  }
tec
execute0_lowered:
.L_overlay_start_1:
0x0: {  	(tag) =	ssettag $0x1  }
0x1: {  	s9 =	rddreg [dreg:$0x0]  }
0x2: {  	s0 =	rddreg [dreg:$0x1];
	s1 =	simm.s32 $0x0  }
0x3: {  	s6 =	srdreg.scid;
	s13 =	simm.s32 $0x3E8;
	s14 =	simm.s32 $0x46D0  }
0x4: {  	s15 =	simm.s32 $0x4AC0;
	s16 =	simm.s32 $0x7D0;
	s17 =	simm.s32 $0x1  }
0x5: {  	s18 =	simm.s32 $0x0;
	s23 =	simm.s32 $0x0;
	[smem:$0x7FF] =	sst s1  }
0x6: {  	s2 =	sadd.s32 $0xF8A00, s9;
	s3 =	sadd.s32 $0x27F600, s9;
	s4 =	sadd.s32 $0x1CC00, s9  }
0x7: {  	s5 =	sadd.s32 $0x4400, s9;
	s10 =	sand.u32 $0x1, s6;
	s7 =	sadd.s32 $0x111200, s9  }
0x8: {  	s8 =	sadd.s32 $0x129A00, s9;
	s6 =	stileid.u32;
	s11 =	ssub.s32 $0x2, s10  }
0x9: {  	s9 =	sadd.s32 $0x297E00, s9;
	s10 =	sshll.u32 s10, $0x4;
	s12 =	sshrl.u32 s11, $0x1  }
0xa: {  	v0 =	vlaneseq.u32;
	_ =	strace $0x80000047;
	s10 =	sor.u32 s6, s10;
	s11 =	ssub.s32 s11, s12  }
0xb: {  	v1 =	vor.u32 $0xFFFFFFF8, v0;
	s10 =	smul.u32 $0x61A8, s10;
	s12 =	simm.s32 $0x2;
	s11 =	smax.u32 s11, $0x1  }
.LBB2_1:
0xc: {  	s19 =	simm.s32 $0x0  }
.LBB2_2:
0xd: {  	s20 =	smul.u32 $0x3E8, s19;
	_ =	sdelay $0x1  }
0xe: {  	s20 =	sadd.s32 s10, s20  }
0xf: {  	s21 =	sshrl.u32 s20, $0x3  }
0x10: {  	s22 =	sadd.s32 s4, s21  }
0x11: {  	[tilespmem:s23], [sflag:$0x2] =	stream.linear.gather [hbm4b:s22+s23], $0x3E8, $0x38;
	[tilespmem:$0x4EB0] =	vst v63  }
0x12: {  	_ =	swait.ge [sflag:s12], $0x3E8  }
0x13: {  	[sflag:s12] =	ssyncset.done $0x0  }
0x14: {  	s29 =	sadd.s32 s5, s21;
	[sflag:s12] =	ssyncadd.s32 $0xFFFFFC18  }
0x15: {  	[tilespmem:s13], [sflag:$0x2] =	stream.linear.gather [hbm4b:s29+s23], $0x3E8, $0x38;
	[tilespmem:$0x4EB0] =	vst v63  }
0x16: {  	_ =	swait.ge [sflag:s12], $0x3E8  }
0x17: {  	[sflag:s12] =	ssyncset.done $0x0  }
0x18: {  	s30 =	sadd.s32 s7, s21;
	[sflag:s12] =	ssyncadd.s32 $0xFFFFFC18  }
0x19: {  	[tilespmem:s14], [sflag:$0x2] =	stream.linear.gather [hbm4b:s30+s23], $0x3E8, $0x38;
	[tilespmem:$0x4EB0] =	vst v63  }
0x1a: {  	_ =	swait.ge [sflag:s12], $0x3E8  }
0x1b: {  	[sflag:s12] =	ssyncset.done $0x0  }
0x1c: {  	s21 =	sadd.s32 s8, s21;
	[sflag:s12] =	ssyncadd.s32 $0xFFFFFC18  }
0x1d: {  	[tilespmem:s15], [sflag:$0x2] =	stream.linear.gather [hbm4b:s21+s23], $0x3E8, $0x38;
	[tilespmem:$0x4EB0] =	vst v63  }
0x1e: {  	_ =	swait.ge [sflag:s12], $0x3E8  }
0x1f: {  	[sflag:s12] =	ssyncset.done $0x0  }
0x20: {  	[sflag:s12] =	ssyncadd.s32 $0xFFFFFC18  }
0x21: {  	[tilespmem:s16], [sflag:$0x1] =	stream.indirect.gather [hbm4b:s2+s13], $0x10, s23, s13, $0xb8;
	[tilespmem:$0x4EB0] =	vst v63  }
0x22: {  	_ =	swait.ge [sflag:s17], $0x3E80  }
0x23: {  	v2 =	vor.u32 s23, v0;
	[sflag:s17] =	ssyncset.done $0x0  }
0x24: {  	v4 =	vand.u32 v1, v2;
	[sflag:s17] =	ssyncadd.s32 $0xFFFFC180  }
0x25: {  	[tilespmem:s16], [sflag:$0x1] =	stream.indirect.gather.add.f32 [hbm:s3], $0x10, s13, s13, $0xb8;
	[tilespmem:$0x4EB0] =	vst v63  }
0x26: {  	_ =	swait.ge [sflag:s17], $0x3E80  }
0x27: {  	[sflag:s17] =	ssyncset.done $0x0  }
0x28: {  	[sflag:s17] =	ssyncadd.s32 $0xFFFFC180  }
0x29: {  	v6 =	vshll.u32 v2, $0x4;
	v3 =	vld.idx.msk [tilespmem:v4+s15+$0x0], $0xffff  }
0x2a: {  	s31 =	simm.s32 $0x10;
	v5 =	vor.u32 $0x3, v6;
	v4 =	vld.idx.msk [tilespmem:v4+s14+$0x0], $0xffff  }
0x2b: {  	v2 =	vor.u32 s31, v0;
	v6 =	vor.u32 $0xB, v6;
	s21 =	simm.s32 $0x20  }
.LBB2_3:
0x2c: {  	p0 =	sne.s32 s21, $0x3E0;
	v7 =	vand.u32 v1, v2;
	_ =	sdelay $0x1  }
0x2d: {  	v3 =	vcvt.s32.f32 v3  }
0x2e: {  	[tilespmem:v5+s16+$0x0] =	vst.idx.msk $0xffff, v4  }
.Ltmp0:
0x2f: {  	[tilespmem:v6+s16+$0x0] =	vst.idx.msk $0xffff, v3;
	(pc) =	sbr.rel @p0 .LBB2_3-.Ltmp0, $4  }
0x30: {  	v3 =	vld.idx.msk [tilespmem:v7+s15+$0x0], $0xffff  }
0x31: {  	v6 =	vshll.u32 v2, $0x4;
	v4 =	vld.idx.msk [tilespmem:v7+s14+$0x0], $0xffff  }
0x32: {  	v5 =	vor.u32 $0x3, v6  }
0x33: {  	v2 =	vor.u32 s21, v0;
	s21 =	sadd.s32 $0x10, s21;
	v6 =	vor.u32 $0xB, v6  }
0x34: {  	_ = 	snop  }
0x35: {  	v7 =	vand.u32 v1, v2;
	_ =	sdelay $0x1  }
0x36: {  	v3 =	vcvt.s32.f32 v3  }
0x37: {  	[tilespmem:v5+s16+$0x0] =	vst.idx.msk $0xffff, v4  }
0x38: {  	[tilespmem:v6+s16+$0x0] =	vst.idx.msk $0xffff, v3  }
0x39: {  	v2 =	vshll.u32 v2, $0x4;
	v3 =	vld.idx.msk [tilespmem:v7+s15+$0x0], $0xffff  }
0x3a: {  	v63 =	vor.u32 $0x3, v2;
	v4 =	vld.idx.msk [tilespmem:v7+s14+$0x0], $0xffff  }
0x3b: {  	v2 =	vor.u32 $0xB, v2;
	_ =	sdelay $0x2  }
0x3c: {  	s19 =	sadd.s32 $0x1, s19;
	v3 =	vcvt.s32.f32 v3  }
0x3d: {  	s20 =	sshll.u32 s20, $0x1;
	p0 =	sne.s32 s19, $0x19;
	[tilespmem:v63+s16+$0x0] =	vst.idx.msk $0xffff, v4  }
.Ltmp1:
0x3e: {  	s20 =	sadd.s32 s9, s20;
	[tilespmem:v2+s16+$0x0] =	vst.idx.msk $0xffff, v3;
	(pc) =	sbr.rel @p0 .LBB2_2-.Ltmp1, $4  }
0x3f: {  	[hbm4b:s20+s1] =	stream.linear.scatter [tilespmem:s16], [sflag:$0x2], $0x3E80, $0x38;
	[tilespmem:$0x4EB0] =	vst v63  }
0x40: {  	_ =	swait.ge [sflag:s12], $0x3E80  }
0x41: {  	[sflag:s12] =	ssyncset.done $0x0  }
0x42: {  	[sflag:s12] =	ssyncadd.s32 $0xFFFFC180  }
0x43: {  	s18 =	sadd.s32 $0x1, s18  }
0x44: {  	p0 =	sne.s32 s18, s11  }
.Ltmp2:
0x45: {  	_ = 	snop;
	(pc) =	sbr.rel @p0 .LBB2_1-.Ltmp2, $1  }
0x46: {  	_ =	sdelay $0x3  }
0x47: {  	_ =	sfence.sel $0x180000  }
0x48: {  	[bflag:$0x0] =	sbarrier.arrive $0xFFFF  }
0x49: {  	p0 =	sne.s32 s6, $0x0;
	_ =	strace $0x90000047  }
0x4a: {  	s0 =	sadd.s32 @!p0 $0x100000, s0;
	[bflag:$0x2] =	sbarrier.arrive $0xFFFF  }
0x4b: {  	[sflag:s0] =	ssyncadd.tile.s32 @!p0 $0x1;
	_ =	shalt  }
.Lfunc_end2:
_tile_overlayer_lowered:
.L_overlay_start_2:
0x4c: {  	(tag) =	ssettag $0x2  }
0x4d: {  	s0 =	rddreg [dreg:$0x0];
	s2 =	stileid.u32  }
0x4e: {  	s1 =	rddreg [dreg:$0x1];
	p0 =	sne.s32 s2, $0x0  }
0x4f: {  	s3 =	rddreg [dreg:$0x2];
	[bflag:$0x3] =	sbarrier.arrive $0xFFFF;
	s2 =	simm.s32 @!p0 $0x1C02  }
0x50: {  	[timem:s3], [sflag:s2] =	dma.local @!p0 [hbm:s0], s1  }
0x51: {  	s0 =	simm.s32 @!p0 $0x2  }
0x52: {  	_ =	swait.ge @!p0 [sflag:s0], s1  }
0x53: {  	s1 =	ssub.s32 @!p0 $0x0, s1;
	[sflag:s0] =	ssyncset.done @!p0 $0x0  }
0x54: {  	[sflag:s0] =	ssyncadd.s32 @!p0 s1  }
0x55: {  	[bflag:$0x3] =	sbarrier.arrive $0xFFFF  }
0x56: {  	_ =	shalt  }

// kernel: kernel.13.cloned.1.call-start
scs
__scs_entry_jumppad:
0x0: {  	(pc) =	sbr.rel $0x88, $3  }
0x1: {  	(tag) =	ssettag $0x0;
	lr =	simm.s32 $0x1  }
0x2: {  	[smem:$0x3F90] =	sst lr;
	_ =	strace $0xD0000000  }
0x3: {  	_ = 	snop  }
0x4: {  	_ = 	snop  }
0x5: {  	_ = 	snop  }
0x6: {  	_ = 	snop  }
0x7: {  	_ = 	snop  }
__scs_overlays_trampoline_lowered:
0x8: {  	[smem:$0x3F9F] =	sst s0  }
0x9: {  	[smem:$0x3FA0] =	sst s1  }
0xa: {  	[smem:$0x3FA1] =	sst s2  }
0xb: {  	[smem:$0x3FA2] =	sst s3  }
0xc: {  	[smem:$0x3FA3] =	sst s4  }
0xd: {  	[smem:$0x3FA4] =	sst s5  }
0xe: {  	[smem:$0x3FA5] =	sst s6  }
0xf: {  	[smem:$0x3FA6] =	sst s7  }
0x10: {  	[smem:$0x3FA7] =	sst s8  }
0x11: {  	[smem:$0x3FA8] =	sst s9;
	s0 =	simm.s32 @!p0 $0x0  }
0x12: {  	s1 =	sld [smem:$0x3F8E];
	s0 =	simm.s32 @p0 $0x1  }
0x13: {  	[smem:$0x3FA9] =	sst s0;
	s0 =	simm.s32 @!p1 $0x0  }
0x14: {  	s2 =	sld [smem:$0x3F8D];
	s0 =	simm.s32 @p1 $0x1  }
0x15: {  	[smem:$0x3FAA] =	sst s0;
	s0 =	simm.s32 @!p2 $0x0  }
0x16: {  	s3 =	sld [smem:$0x3FDB];
	s0 =	simm.s32 @p2 $0x1  }
0x17: {  	s4 =	simm.s32 $0x1BF5;
	[smem:$0x3FAC] =	sst s0  }
0x18: {  	s0 =	sld [smem:$0x3F8F];
	_ =	swait.ge [sflag:s4], $0x0  }
0x19: {  	s7 =	sld [smem:$0x3F90]  }
0x1a: {  	s8 =	sadd.s32 $0xFFFFE003, lr  }
0x1b: {  	s9 =	sadd.s32 $0xFFFFFEF7, lr;
	s5 =	simm.s32 $0xFFFFFFFF;
	p2 =	slt.u32 s8, $0xFFFFF086  }
0x1c: {  	p1 =	slt.u32 s9, $0xF7A;
	s5 =	simm.s32 @!p2 $0x0  }
0x1d: {  	s5 =	simm.s32 @p1 $0x1;
	p0 =	seq.s32 s7, s2  }
0x1e: {  	s7 =	smul.u32 @!p0 $0xF7A, s2;
	p2 =	seq.s32 @!p0 s5, $0x0  }
0x1f: {  	s9 =	smul.u32 $0xF7A, s1;
	s8 =	simm.s32 @!p0 $0x1BF5;
	p2 =	por !p2, p0  }
0x20: {  	[sflag:s8] =	ssyncset.s32 @!p0 $0xFFFFF086;
	s6 =	sadd.s32 @!p0 s3, s7;
	s7 =	simm.s32 @!p0 $0x108  }
0x21: {  	s3 =	sadd.s32 s3, s9;
	s6 =	sadd.s32 @!p0 $0x88, s6;
	s7 =	simm.s32 @p2 $0x1082  }
0x22: {  	[simem:s7], [sflag:s8] =	dma.local @!p0 [hbm:s6], $0xF7A  }
0x23: {  	s9 =	sor.u32 $0xD0000000, s2;
	s6 =	simm.s32 $0x108;
	_ =	swait.ge @!p0 [sflag:s8], $0x0  }
0x24: {  	s3 =	sadd.s32 $0x88, s3;
	s6 =	simm.s32 @!p1 $0x1082;
	[sflag:s4] =	ssyncset.s32 $0xFFFFF086  }
0x25: {  	[simem:s6], [sflag:s4] =	dma.local [hbm:s3], $0xF7A  }
0x26: {  	[smem:$0x3F90] =	sst s1;
	(tag) =	ssettag s2;
	_ =	strace s9  }
0x27: {  	s1 =	sld [smem:$0x3FA0]  }
0x28: {  	s2 =	sld [smem:$0x3FA1]  }
0x29: {  	s4 =	sld [smem:$0x3FA3]  }
0x2a: {  	p0 =	seq.s32 s5, $0x0;
	s5 =	sld [smem:$0x3FA4]  }
0x2b: {  	s6 =	sld [smem:$0x3FA5]  }
0x2c: {  	s7 =	sld [smem:$0x3FA6]  }
0x2d: {  	s3 =	simm.s32 $0x108;
	s8 =	sld [smem:$0x3FA7]  }
0x2e: {  	s3 =	simm.s32 @!p0 $0x1082;
	s9 =	sld [smem:$0x3FA8]  }
0x2f: {  	lr =	sadd.s32 s0, s3;
	s0 =	sld [smem:$0x3F9F]  }
0x30: {  	s3 =	sld [smem:$0x3FA2]  }
0x31: {  	[smem:$0x3FAB] =	sst s10  }
0x32: {  	s10 =	sld [smem:$0x3FA9];
	_ =	sdelay $0x3  }
0x33: {  	p0 =	seq.s32 s10, $0x1;
	s10 =	sld [smem:$0x3FAB];
	_ =	sdelay $0x3  }
0x34: {  	[smem:$0x3FAB] =	sst s10  }
0x35: {  	s10 =	sld [smem:$0x3FAA];
	_ =	sdelay $0x3  }
0x36: {  	p1 =	seq.s32 s10, $0x1;
	s10 =	sld [smem:$0x3FAB];
	_ =	sdelay $0x3  }
0x37: {  	[smem:$0x3FAB] =	sst s10  }
0x38: {  	s10 =	sld [smem:$0x3FAC]  }
0x39: {  	_ = 	snop;
	(pc) =	sbr.ind lr, $3  }
0x3a: {  	_ = 	snop  }
0x3b: {  	_ = 	snop  }
0x3c: {  	p2 =	seq.s32 s10, $0x1;
	s10 =	sld [smem:$0x3FAB]  }
0x3d: {  	_ =	shalt  }
0x3e: {  	_ =	shalt  }
0x3f: {  	_ =	shalt  }
0x40: {  	_ =	shalt  }
0x41: {  	_ =	shalt  }
0x42: {  	_ =	shalt  }
0x43: {  	_ =	shalt  }
0x44: {  	_ =	shalt  }
0x45: {  	_ =	shalt  }
0x46: {  	_ =	shalt  }
0x47: {  	_ =	shalt  }
0x48: {  	_ =	shalt  }
0x49: {  	_ =	shalt  }
0x4a: {  	_ =	shalt  }
0x4b: {  	_ =	shalt  }
0x4c: {  	_ =	shalt  }
0x4d: {  	_ =	shalt  }
0x4e: {  	_ =	shalt  }
0x4f: {  	_ =	shalt  }
0x50: {  	_ =	shalt  }
0x51: {  	_ =	shalt  }
0x52: {  	_ =	shalt  }
0x53: {  	_ =	shalt  }
0x54: {  	_ =	shalt  }
0x55: {  	_ =	shalt  }
0x56: {  	_ =	shalt  }
0x57: {  	_ =	shalt  }
0x58: {  	_ =	shalt  }
0x59: {  	_ =	shalt  }
0x5a: {  	_ =	shalt  }
0x5b: {  	_ =	shalt  }
0x5c: {  	_ =	shalt  }
0x5d: {  	_ =	shalt  }
0x5e: {  	_ =	shalt  }
0x5f: {  	_ =	shalt  }
0x60: {  	_ =	shalt  }
0x61: {  	_ =	shalt  }
0x62: {  	_ =	shalt  }
0x63: {  	_ =	shalt  }
0x64: {  	_ =	shalt  }
0x65: {  	_ =	shalt  }
0x66: {  	_ =	shalt  }
0x67: {  	_ =	shalt  }
0x68: {  	_ =	shalt  }
0x69: {  	_ =	shalt  }
0x6a: {  	_ =	shalt  }
0x6b: {  	_ =	shalt  }
0x6c: {  	_ =	shalt  }
0x6d: {  	_ =	shalt  }
0x6e: {  	_ =	shalt  }
0x6f: {  	_ =	shalt  }
0x70: {  	_ =	shalt  }
0x71: {  	_ =	shalt  }
0x72: {  	_ =	shalt  }
0x73: {  	_ =	shalt  }
0x74: {  	_ =	shalt  }
0x75: {  	_ =	shalt  }
0x76: {  	_ =	shalt  }
0x77: {  	_ =	shalt  }
0x78: {  	_ =	shalt  }
0x79: {  	_ =	shalt  }
0x7a: {  	_ =	shalt  }
0x7b: {  	_ =	shalt  }
0x7c: {  	_ =	shalt  }
0x7d: {  	_ =	shalt  }
0x7e: {  	_ =	shalt  }
0x7f: {  	_ =	shalt  }
0x80: {  	_ =	shalt  }
0x81: {  	_ =	shalt  }
0x82: {  	_ =	shalt  }
0x83: {  	_ =	shalt  }
0x84: {  	_ =	shalt  }
0x85: {  	_ =	shalt  }
0x86: {  	_ =	shalt  }
0x87: {  	_ =	shalt  }
.Lfunc_end0:
.L_simem_size_0:
called_computation.1_lowered:
.L_overlay_start_0:
0x88: {  	s2 =	sld [smem:$0x3FD9]  }
0x89: {  	s3 =	sld [smem:$0x3FFE];
	_ =	sdelay $0x1  }
0x8a: {  	s1 =	srdreg.scid  }
0x8b: {  	s0 =	sand.u32 $0x1, s1  }
0x8c: {  	s16 =	sshll.u32 s0, $0xA;
	s2 =	sadd.s32 s3, s2  }
0x8d: {  	s2 =	sadd.s32 s2, s16  }
0x8e: {  	[smem:$0x3FB7] =	sst s2  }
0x8f: {  	_ = 	snop  }
0x90: {  	(tm) =	ssettm $0x1  }
0x91: {  	s17 =	sld [smem:$0x3FFB];
	_ =	sdelay $0x3  }
0x92: {  	_ =	strace s17  }
0x93: {  	s2 =	sld [smem:$0x3FFC];
	_ =	sdelay $0x3  }
0x94: {  	_ =	strace s2  }
0x95: {  	s2 =	sld [smem:$0x3FFD];
	_ =	sdelay $0x3  }
0x96: {  	_ =	strace s2  }
0x97: {  	_ =	strace $0x8FFFFFFF  }
0x98: {  	s18 =	sld [smem:$0x3FDB];
	_ =	sdelay $0x1  }
0x99: {  	s19 =	simm.s32 $_scs_section_size  }
0x9a: {  	s4 =	simm.s32 $_size__tile_overlayer_lowered;
	s5 =	simm.s32 $_tile_overlayer_lowered  }
0x9b: {  	s22 =	simm.s32 $0x1BFF;
	s21 =	sshll.u32 s5, $0x1;
	s2 =	sadd.s32 s19, s18  }
0x9c: {  	s6 =	simm.s32 $0x0;
	s20 =	sshll.u32 s4, $0x1;
	s4 =	sadd.s32 s21, s2  }
0x9d: {  	[timem:s6], [sflag:s22] =	dma.local [hbm:s4], s20  }
0x9e: {  	_ =	swait.ge [sflag:s22], s20  }
0x9f: {  	s3 =	ssub.s32 $0x0, s20;
	[sflag:s22] =	ssyncset.done $0x0  }
0xa0: {  	[sflag:s22] =	ssyncadd.s32 s3;
	_ =	sdelay $0x1  }
0xa1: {  	s23 =	simm.s32 $0x1B8B  }
0xa2: {  	_ =	swait.ge [sflag:s23], $0x1  }
0xa3: {  	[sflag:s23] =	ssyncset.done $0x0  }
0xa4: {  	s25 =	simm.s32 $0x1B8E;
	s24 =	sld [smem:$0x3FFE];
	[sflag:s23] =	ssyncadd.s32 $0xFFFFFFFF  }
0xa5: {  	s26 =	simm.s32 $execute0_lowered;
	[smem:$0x3FD2] =	sst s25  }
0xa6: {  	s4 =	sshll.u32 s26, $0x1;
	_ =	strace $0x80000049;
	[dreg:$0x1] =	wrdreg $0xFFFFFFFF  }
0xa7: {  	s28 =	simm.s32 $_size_execute0_lowered;
	s2 =	sadd.s32 s2, s4;
	[dreg:$0x0] =	wrdreg $0x0  }
0xa8: {  	s4 =	sshll.u32 s28, $0x1;
	[dreg:$0x2] =	wrdreg s2  }
0xa9: {  	[dreg:$0x3] =	wrdreg s4  }
0xaa: {  	[dreg:$0x4] =	wrdreg $0xC0  }
0xab: {  	_ =	task [dreg:s6], $0x5FFFF  }
0xac: {  	[dreg:$0x1] =	wrdreg $0xFFFFFFFF  }
0xad: {  	[dreg:$0x0] =	wrdreg $0x60  }
0xae: {  	[dreg:$0x2] =	wrdreg s24  }
0xaf: {  	[dreg:$0x3] =	wrdreg $0x42680  }
0xb0: {  	[dreg:$0x4] =	wrdreg $0x9  }
0xb1: {  	_ =	task.clear_ibuf [dreg:s6], $0x5FFFF;
	_ =	strace $0x90000049  }
0xb2: {  	s29 =	simm.s32 $0x9;
	_ =	strace $0x8000004B  }
0xb3: {  	_ =	swait.ge [sflag:s29], $0x1  }
0xb4: {  	[sflag:s29] =	ssyncadd.s32 $0xFFFFFFFF  }
0xb5: {  	_ =	strace $0x9000004B  }
0xb6: {  	_ =	sfence  }
0xb7: {  	s30 =	sld [smem:$0x0];
	_ =	sdelay $0x2  }
0xb8: {  	s31 =	sshll.u32 s1, $0xD;
	s1 =	sshrl.u32 s1, $0x2  }
0xb9: {  	s3 =	sand.u32 $0x4000, s31;
	s1 =	sadd.s32 s1, s30  }
0xba: {  	s0 =	sor.u32 s3, s0;
	s1 =	sshll.u32 s1, $0x11  }
0xbb: {  	s0 =	sor.u32 s1, s0  }
0xbc: {  	s0 =	sadd.s32 $0x8F2B, s0  }
0xbd: {  	[sflag:s0] =	ssyncadd.remote.s32 $0x1  }
0xbe: {  	_ =	sfence.sel $0xFFFF  }
0xbf: {  	[dreg:$0x0] =	wrdreg $0xFFFFFFFF;
	(pc) =	sbr.abs _section_cstart, $3  }
0xc0: {  	[dreg:$0x1] =	wrdreg $0xFFFFFFFF  }
0xc1: {  	_ =	task.clear_ibuf [dreg:s6], $0x2FFFF;
	_ =	strace $0x9FFFFFFF  }
0xc2: {  	(tm) =	ssettm $0x7FFFFFFF  }
0xc3: {  	_ =	shalt  }
tec
execute0_lowered:
.L_overlay_start_1:
0x0: {  	(tag) =	ssettag $0x1  }
0x1: {  	s0 =	srdreg.scid  }
0x2: {  	s4 =	sand.u32 $0x1, s0  }
0x3: {  	s0 =	stileid.u32;
	s5 =	smul.u32 $0x61A80, s4  }
0x4: {  	s6 =	rddreg [dreg:$0x0];
	s7 =	smul.u32 $0x61A8, s0  }
0x5: {  	s2 =	rddreg [dreg:$0x1];
	s8 =	smul.u32 $0xC3500, s4  }
0x6: {  	s1 =	rddreg [dreg:$0x2];
	s3 =	simm.s32 $0x0;
	s9 =	smul.u32 $0xC380, s0  }
0x7: {  	[smem:$0x7FF] =	sst s3;
	s26 =	smul.u32 $0xC3800, s4  }
0x8: {  	_ =	strace $0x8000004A;
	s4 =	ssub.s32 $0x2, s4;
	s31 =	sshll.u32 s0, $0x6  }
0x9: {  	s12 =	smul.u32 $0xC350, s0;
	s30 =	sshrl.u32 s4, $0x1;
	s5 =	sadd.s32 s7, s5  }
0xa: {  	s8 =	sadd.s32 s8, s6;
	s28 =	sadd.s32 s9, s26;
	s29 =	sshrl.u32 s9, $0x3  }
0xb: {  	s11 =	ssub.s32 s4, s30;
	s13 =	sadd.s32 s9, s2;
	s5 =	sshrl.u32 s5, $0x3  }
0xc: {  	s7 =	sadd.s32 s29, s6;
	s8 =	sadd.s32 s12, s8;
	s12 =	simm.s32 $0x3E8  }
0xd: {  	s10 =	sadd.s32 s5, s6;
	s5 =	sshrl.u32 s28, $0x3;
	s4 =	sadd.s32 $0x27F400, s7  }
0xe: {  	s7 =	smax.u32 s11, $0x1;
	s8 =	sadd.s32 $0xF8A00, s8;
	s11 =	simm.s32 $0x1  }
0xf: {  	s6 =	sadd.s32 s5, s6;
	s5 =	sor.u32 $0x1C01, s31;
	s9 =	sadd.s32 $0x4400, s10  }
0x10: {  	s10 =	sshrl.u32 s13, $0x3;
	s13 =	simm.s32 $0x0;
	s6 =	sadd.s32 $0x297C00, s6  }
.LBB2_1:
0x11: {  	[spmem:s10], [sflag:s5] =	dma.local [hbm:s4], $0x1870  }
0x12: {  	_ =	swait.ge [sflag:s11], $0x1870  }
0x13: {  	[sflag:s11] =	ssyncset.done $0x0  }
0x14: {  	[sflag:s11] =	ssyncadd.s32 $0xFFFFE790  }
0x15: {  	s14 =	sadd.s32 $0x0, s9;
	[bflag:$0x0] =	sbarrier.arrive $0xFFFF  }
0x16: {  	[tilespmem:s3], [sflag:$0x1] =	stream.linear.gather [hbm4b:s14+s3], $0x3E8, $0x38;
	[tilespmem:$0x105E8] =	vst v63  }
0x17: {  	_ =	swait.ge [sflag:s11], $0x3E8  }
0x18: {  	[sflag:s11] =	ssyncset.done $0x0  }
0x19: {  	[sflag:s11] =	ssyncadd.s32 $0xFFFFFC18  }
0x1a: {  	[tilespmem:s12], [sflag:$0x1] =	stream.linear.gather [hbm4b:s8+s3], $0x3E80, $0x38;
	[tilespmem:$0x105E8] =	vst v63  }
0x1b: {  	_ =	swait.ge [sflag:s11], $0x3E80  }
0x1c: {  	[sflag:s11] =	ssyncset.done $0x0  }
0x1d: {  	[sflag:s11] =	ssyncadd.s32 $0xFFFFC180  }
0x1e: {  	[spmem:s2] =	stream.indirect.scatter.add.f32 [tilespmem:s12], [sflag:$0x1], $0x10, s3, s12, $0xb8;
	[tilespmem:$0x105E8] =	vst v63  }
0x1f: {  	s15 =	simm.s32 $0x7D;
	_ =	swait.ge [sflag:s11], $0x3E80  }
0x20: {  	s16 =	simm.s32 $0xFA;
	s14 =	sadd.s32 $0x7D0, s8;
	[sflag:s11] =	ssyncset.done $0x0  }
.LBB2_2:
0x21: {  	s17 =	sadd.s32 s15, s9  }
0x22: {  	[sflag:s11] =	ssyncadd.s32 $0xFFFFC180;
	s15 =	smov.u32 s16;
	s18 =	sadd.s32 $0x7D, s16  }
0x23: {  	[tilespmem:s3], [sflag:$0x1] =	stream.linear.gather [hbm4b:s17+s3], $0x3E8, $0x38;
	[tilespmem:$0x105E8] =	vst v63  }
0x24: {  	p0 =	sne.s32 s16, $0xBB8;
	_ =	swait.ge [sflag:s11], $0x3E8  }
0x25: {  	[sflag:s11] =	ssyncset.done $0x0  }
0x26: {  	[sflag:s11] =	ssyncadd.s32 $0xFFFFFC18  }
0x27: {  	[tilespmem:s12], [sflag:$0x1] =	stream.linear.gather [hbm4b:s14+s3], $0x3E80, $0x38;
	[tilespmem:$0x105E8] =	vst v63  }
0x28: {  	_ =	swait.ge [sflag:s11], $0x3E80  }
.Ltmp0:
0x29: {  	[sflag:s11] =	ssyncset.done $0x0;
	(pc) =	sbr.rel @p0 .LBB2_2-.Ltmp0, $4  }
0x2a: {  	[sflag:s11] =	ssyncadd.s32 $0xFFFFC180  }
0x2b: {  	[spmem:s2] =	stream.indirect.scatter.add.f32 [tilespmem:s12], [sflag:$0x1], $0x10, s3, s12, $0xb8;
	[tilespmem:$0x105E8] =	vst v63  }
0x2c: {  	_ =	swait.ge [sflag:s11], $0x3E80  }
0x2d: {  	s16 =	smov.u32 s18;
	s14 =	sadd.s32 $0x7D0, s14;
	[sflag:s11] =	ssyncset.done $0x0  }
0x2e: {  	s15 =	sadd.s32 s15, s9;
	[sflag:s11] =	ssyncadd.s32 $0xFFFFC180  }
0x2f: {  	[tilespmem:s3], [sflag:$0x1] =	stream.linear.gather [hbm4b:s15+s3], $0x3E8, $0x38;
	[tilespmem:$0x105E8] =	vst v63  }
0x30: {  	_ =	swait.ge [sflag:s11], $0x3E8  }
0x31: {  	[sflag:s11] =	ssyncset.done $0x0  }
0x32: {  	[sflag:s11] =	ssyncadd.s32 $0xFFFFFC18  }
0x33: {  	[tilespmem:s12], [sflag:$0x1] =	stream.linear.gather [hbm4b:s14+s3], $0x3E80, $0x38;
	[tilespmem:$0x105E8] =	vst v63  }
0x34: {  	_ =	swait.ge [sflag:s11], $0x3E80  }
0x35: {  	[sflag:s11] =	ssyncset.done $0x0  }
0x36: {  	[sflag:s11] =	ssyncadd.s32 $0xFFFFC180  }
0x37: {  	[spmem:s2] =	stream.indirect.scatter.add.f32 [tilespmem:s12], [sflag:$0x1], $0x10, s3, s12, $0xb8;
	[tilespmem:$0x105E8] =	vst v63  }
0x38: {  	_ =	swait.ge [sflag:s11], $0x3E80  }
0x39: {  	s13 =	sadd.s32 $0x1, s13;
	[sflag:s11] =	ssyncset.done $0x0  }
0x3a: {  	p0 =	sne.s32 s13, s7;
	[sflag:s11] =	ssyncadd.s32 $0xFFFFC180  }
.Ltmp1:
0x3b: {  	[bflag:$0x0] =	sbarrier.arrive $0xFFFF;
	(pc) =	sbr.rel @p0 .LBB2_1-.Ltmp1, $4  }
0x3c: {  	[hbm:s6], [sflag:s5] =	dma.local [spmem:s10], $0x1870  }
0x3d: {  	_ =	swait.ge [sflag:s11], $0x1870  }
0x3e: {  	[sflag:s11] =	ssyncset.done $0x0  }
0x3f: {  	[sflag:s11] =	ssyncadd.s32 $0xFFFFE790  }
0x40: {  	_ =	sfence.sel $0x180000  }
0x41: {  	[bflag:$0x0] =	sbarrier.arrive $0xFFFF  }
0x42: {  	p0 =	sne.s32 s0, $0x0;
	_ =	strace $0x9000004A  }
0x43: {  	s0 =	sadd.s32 @!p0 $0x100000, s1;
	[bflag:$0x2] =	sbarrier.arrive $0xFFFF  }
0x44: {  	[sflag:s0] =	ssyncadd.tile.s32 @!p0 $0x1;
	_ =	shalt  }
.Lfunc_end2:
_tile_overlayer_lowered:
.L_overlay_start_2:
0x45: {  	(tag) =	ssettag $0x2  }
0x46: {  	s0 =	rddreg [dreg:$0x0];
	s2 =	stileid.u32  }
0x47: {  	s1 =	rddreg [dreg:$0x1];
	p0 =	sne.s32 s2, $0x0  }
0x48: {  	s3 =	rddreg [dreg:$0x2];
	[bflag:$0x3] =	sbarrier.arrive $0xFFFF;
	s2 =	simm.s32 @!p0 $0x1C01  }
0x49: {  	[timem:s3], [sflag:s2] =	dma.local @!p0 [hbm:s0], s1  }
0x4a: {  	s0 =	simm.s32 @!p0 $0x1  }
0x4b: {  	_ =	swait.ge @!p0 [sflag:s0], s1  }
0x4c: {  	s1 =	ssub.s32 @!p0 $0x0, s1;
	[sflag:s0] =	ssyncset.done @!p0 $0x0  }
0x4d: {  	[sflag:s0] =	ssyncadd.s32 @!p0 s1  }
0x4e: {  	[bflag:$0x3] =	sbarrier.arrive $0xFFFF  }
0x4f: {  	_ =	shalt  }

// kernel: kernel.16.cloned.1.call-start
scs
__scs_entry_jumppad:
0x0: {  	(pc) =	sbr.rel $0x88, $3  }
0x1: {  	(tag) =	ssettag $0x0;
	lr =	simm.s32 $0x1  }
0x2: {  	[smem:$0x3F90] =	sst lr;
	_ =	strace $0xD0000000  }
0x3: {  	_ = 	snop  }
0x4: {  	_ = 	snop  }
0x5: {  	_ = 	snop  }
0x6: {  	_ = 	snop  }
0x7: {  	_ = 	snop  }
__scs_overlays_trampoline_lowered:
0x8: {  	[smem:$0x3F9F] =	sst s0  }
0x9: {  	[smem:$0x3FA0] =	sst s1  }
0xa: {  	[smem:$0x3FA1] =	sst s2  }
0xb: {  	[smem:$0x3FA2] =	sst s3  }
0xc: {  	[smem:$0x3FA3] =	sst s4  }
0xd: {  	[smem:$0x3FA4] =	sst s5  }
0xe: {  	[smem:$0x3FA5] =	sst s6  }
0xf: {  	[smem:$0x3FA6] =	sst s7  }
0x10: {  	[smem:$0x3FA7] =	sst s8  }
0x11: {  	[smem:$0x3FA8] =	sst s9;
	s0 =	simm.s32 @!p0 $0x0  }
0x12: {  	s1 =	sld [smem:$0x3F8E];
	s0 =	simm.s32 @p0 $0x1  }
0x13: {  	[smem:$0x3FA9] =	sst s0;
	s0 =	simm.s32 @!p1 $0x0  }
0x14: {  	s2 =	sld [smem:$0x3F8D];
	s0 =	simm.s32 @p1 $0x1  }
0x15: {  	[smem:$0x3FAA] =	sst s0;
	s0 =	simm.s32 @!p2 $0x0  }
0x16: {  	s3 =	sld [smem:$0x3FDB];
	s0 =	simm.s32 @p2 $0x1  }
0x17: {  	s4 =	simm.s32 $0x1BF5;
	[smem:$0x3FAC] =	sst s0  }
0x18: {  	s0 =	sld [smem:$0x3F8F];
	_ =	swait.ge [sflag:s4], $0x0  }
0x19: {  	s7 =	sld [smem:$0x3F90]  }
0x1a: {  	s8 =	sadd.s32 $0xFFFFE003, lr  }
0x1b: {  	s9 =	sadd.s32 $0xFFFFFEF7, lr;
	s5 =	simm.s32 $0xFFFFFFFF;
	p2 =	slt.u32 s8, $0xFFFFF086  }
0x1c: {  	p1 =	slt.u32 s9, $0xF7A;
	s5 =	simm.s32 @!p2 $0x0  }
0x1d: {  	s5 =	simm.s32 @p1 $0x1;
	p0 =	seq.s32 s7, s2  }
0x1e: {  	s7 =	smul.u32 @!p0 $0xF7A, s2;
	p2 =	seq.s32 @!p0 s5, $0x0  }
0x1f: {  	s9 =	smul.u32 $0xF7A, s1;
	s8 =	simm.s32 @!p0 $0x1BF5;
	p2 =	por !p2, p0  }
0x20: {  	[sflag:s8] =	ssyncset.s32 @!p0 $0xFFFFF086;
	s6 =	sadd.s32 @!p0 s3, s7;
	s7 =	simm.s32 @!p0 $0x108  }
0x21: {  	s3 =	sadd.s32 s3, s9;
	s6 =	sadd.s32 @!p0 $0x88, s6;
	s7 =	simm.s32 @p2 $0x1082  }
0x22: {  	[simem:s7], [sflag:s8] =	dma.local @!p0 [hbm:s6], $0xF7A  }
0x23: {  	s9 =	sor.u32 $0xD0000000, s2;
	s6 =	simm.s32 $0x108;
	_ =	swait.ge @!p0 [sflag:s8], $0x0  }
0x24: {  	s3 =	sadd.s32 $0x88, s3;
	s6 =	simm.s32 @!p1 $0x1082;
	[sflag:s4] =	ssyncset.s32 $0xFFFFF086  }
0x25: {  	[simem:s6], [sflag:s4] =	dma.local [hbm:s3], $0xF7A  }
0x26: {  	[smem:$0x3F90] =	sst s1;
	(tag) =	ssettag s2;
	_ =	strace s9  }
0x27: {  	s1 =	sld [smem:$0x3FA0]  }
0x28: {  	s2 =	sld [smem:$0x3FA1]  }
0x29: {  	s4 =	sld [smem:$0x3FA3]  }
0x2a: {  	p0 =	seq.s32 s5, $0x0;
	s5 =	sld [smem:$0x3FA4]  }
0x2b: {  	s6 =	sld [smem:$0x3FA5]  }
0x2c: {  	s7 =	sld [smem:$0x3FA6]  }
0x2d: {  	s3 =	simm.s32 $0x108;
	s8 =	sld [smem:$0x3FA7]  }
0x2e: {  	s3 =	simm.s32 @!p0 $0x1082;
	s9 =	sld [smem:$0x3FA8]  }
0x2f: {  	lr =	sadd.s32 s0, s3;
	s0 =	sld [smem:$0x3F9F]  }
0x30: {  	s3 =	sld [smem:$0x3FA2]  }
0x31: {  	[smem:$0x3FAB] =	sst s10  }
0x32: {  	s10 =	sld [smem:$0x3FA9];
	_ =	sdelay $0x3  }
0x33: {  	p0 =	seq.s32 s10, $0x1;
	s10 =	sld [smem:$0x3FAB];
	_ =	sdelay $0x3  }
0x34: {  	[smem:$0x3FAB] =	sst s10  }
0x35: {  	s10 =	sld [smem:$0x3FAA];
	_ =	sdelay $0x3  }
0x36: {  	p1 =	seq.s32 s10, $0x1;
	s10 =	sld [smem:$0x3FAB];
	_ =	sdelay $0x3  }
0x37: {  	[smem:$0x3FAB] =	sst s10  }
0x38: {  	s10 =	sld [smem:$0x3FAC]  }
0x39: {  	_ = 	snop;
	(pc) =	sbr.ind lr, $3  }
0x3a: {  	_ = 	snop  }
0x3b: {  	_ = 	snop  }
0x3c: {  	p2 =	seq.s32 s10, $0x1;
	s10 =	sld [smem:$0x3FAB]  }
0x3d: {  	_ =	shalt  }
0x3e: {  	_ =	shalt  }
0x3f: {  	_ =	shalt  }
0x40: {  	_ =	shalt  }
0x41: {  	_ =	shalt  }
0x42: {  	_ =	shalt  }
0x43: {  	_ =	shalt  }
0x44: {  	_ =	shalt  }
0x45: {  	_ =	shalt  }
0x46: {  	_ =	shalt  }
0x47: {  	_ =	shalt  }
0x48: {  	_ =	shalt  }
0x49: {  	_ =	shalt  }
0x4a: {  	_ =	shalt  }
0x4b: {  	_ =	shalt  }
0x4c: {  	_ =	shalt  }
0x4d: {  	_ =	shalt  }
0x4e: {  	_ =	shalt  }
0x4f: {  	_ =	shalt  }
0x50: {  	_ =	shalt  }
0x51: {  	_ =	shalt  }
0x52: {  	_ =	shalt  }
0x53: {  	_ =	shalt  }
0x54: {  	_ =	shalt  }
0x55: {  	_ =	shalt  }
0x56: {  	_ =	shalt  }
0x57: {  	_ =	shalt  }
0x58: {  	_ =	shalt  }
0x59: {  	_ =	shalt  }
0x5a: {  	_ =	shalt  }
0x5b: {  	_ =	shalt  }
0x5c: {  	_ =	shalt  }
0x5d: {  	_ =	shalt  }
0x5e: {  	_ =	shalt  }
0x5f: {  	_ =	shalt  }
0x60: {  	_ =	shalt  }
0x61: {  	_ =	shalt  }
0x62: {  	_ =	shalt  }
0x63: {  	_ =	shalt  }
0x64: {  	_ =	shalt  }
0x65: {  	_ =	shalt  }
0x66: {  	_ =	shalt  }
0x67: {  	_ =	shalt  }
0x68: {  	_ =	shalt  }
0x69: {  	_ =	shalt  }
0x6a: {  	_ =	shalt  }
0x6b: {  	_ =	shalt  }
0x6c: {  	_ =	shalt  }
0x6d: {  	_ =	shalt  }
0x6e: {  	_ =	shalt  }
0x6f: {  	_ =	shalt  }
0x70: {  	_ =	shalt  }
0x71: {  	_ =	shalt  }
0x72: {  	_ =	shalt  }
0x73: {  	_ =	shalt  }
0x74: {  	_ =	shalt  }
0x75: {  	_ =	shalt  }
0x76: {  	_ =	shalt  }
0x77: {  	_ =	shalt  }
0x78: {  	_ =	shalt  }
0x79: {  	_ =	shalt  }
0x7a: {  	_ =	shalt  }
0x7b: {  	_ =	shalt  }
0x7c: {  	_ =	shalt  }
0x7d: {  	_ =	shalt  }
0x7e: {  	_ =	shalt  }
0x7f: {  	_ =	shalt  }
0x80: {  	_ =	shalt  }
0x81: {  	_ =	shalt  }
0x82: {  	_ =	shalt  }
0x83: {  	_ =	shalt  }
0x84: {  	_ =	shalt  }
0x85: {  	_ =	shalt  }
0x86: {  	_ =	shalt  }
0x87: {  	_ =	shalt  }
.Lfunc_end0:
.L_simem_size_0:
called_computation.2_lowered:
.L_overlay_start_0:
0x88: {  	s2 =	sld [smem:$0x3FD9]  }
0x89: {  	s3 =	sld [smem:$0x3FFE];
	_ =	sdelay $0x1  }
0x8a: {  	s1 =	srdreg.scid  }
0x8b: {  	s0 =	sand.u32 $0x1, s1  }
0x8c: {  	s17 =	sshll.u32 s0, $0xA;
	s2 =	sadd.s32 s3, s2  }
0x8d: {  	s2 =	sadd.s32 s2, s17  }
0x8e: {  	[smem:$0x3FB7] =	sst s2  }
0x8f: {  	_ = 	snop  }
0x90: {  	s2 =	sld [smem:$0x3FD0];
	(tm) =	ssettm $0x1  }
0x91: {  	s18 =	sld [smem:$0x3FFB];
	_ =	sdelay $0x3  }
0x92: {  	_ =	strace s18  }
0x93: {  	s3 =	sld [smem:$0x3FFC];
	_ =	sdelay $0x3  }
0x94: {  	_ =	strace s3  }
0x95: {  	s3 =	sld [smem:$0x3FFD];
	_ =	sdelay $0x3  }
0x96: {  	_ =	strace s3  }
0x97: {  	_ =	strace $0x8FFFFFFF  }
0x98: {  	s19 =	sld [smem:$0x3FDB];
	_ =	sdelay $0x1  }
0x99: {  	s4 =	simm.s32 $_scs_section_size  }
0x9a: {  	s5 =	simm.s32 $_size__tile_overlayer_lowered;
	s6 =	simm.s32 $_tile_overlayer_lowered  }
0x9b: {  	s22 =	simm.s32 $0x1BFF;
	s21 =	sshll.u32 s6, $0x1;
	s3 =	sadd.s32 s4, s19  }
0x9c: {  	s7 =	simm.s32 $0x0;
	s20 =	sshll.u32 s5, $0x1;
	s5 =	sadd.s32 s21, s3  }
0x9d: {  	[timem:s7], [sflag:s22] =	dma.local [hbm:s5], s20  }
0x9e: {  	_ =	swait.ge [sflag:s22], s20  }
0x9f: {  	s4 =	ssub.s32 $0x0, s20;
	[sflag:s22] =	ssyncset.done $0x0  }
0xa0: {  	[sflag:s22] =	ssyncadd.s32 s4;
	_ =	sdelay $0x1  }
0xa1: {  	s23 =	simm.s32 $0x1B8B  }
0xa2: {  	_ =	swait.ge [sflag:s23], $0x1  }
0xa3: {  	[sflag:s23] =	ssyncset.done $0x0  }
0xa4: {  	s25 =	simm.s32 $0x1B8E;
	s24 =	sld [smem:$0x3FFE];
	[sflag:s23] =	ssyncadd.s32 $0xFFFFFFFF  }
0xa5: {  	s26 =	simm.s32 $execute0_lowered;
	[smem:$0x3FD2] =	sst s25  }
0xa6: {  	s5 =	sshll.u32 s26, $0x1;
	_ =	strace $0x8000004C;
	[dreg:$0x1] =	wrdreg $0xFFFFFFFF  }
0xa7: {  	s28 =	simm.s32 $_size_execute0_lowered;
	s3 =	sadd.s32 s3, s5;
	[dreg:$0x0] =	wrdreg $0x0  }
0xa8: {  	s5 =	sshll.u32 s28, $0x1;
	[dreg:$0x2] =	wrdreg s3  }
0xa9: {  	[dreg:$0x3] =	wrdreg s5  }
0xaa: {  	[dreg:$0x4] =	wrdreg $0xC0  }
0xab: {  	_ =	task [dreg:s7], $0x5FFFF  }
0xac: {  	[dreg:$0x1] =	wrdreg $0xFFFFFFFF  }
0xad: {  	[dreg:$0x0] =	wrdreg $0x60  }
0xae: {  	[dreg:$0x2] =	wrdreg s24  }
0xaf: {  	[dreg:$0x3] =	wrdreg s2  }
0xb0: {  	[dreg:$0x4] =	wrdreg $0x123500  }
0xb1: {  	[dreg:$0x5] =	wrdreg $0x9  }
0xb2: {  	_ =	task.clear_ibuf [dreg:s7], $0x6FFFF;
	_ =	strace $0x9000004C  }
0xb3: {  	s29 =	simm.s32 $0x9;
	_ =	strace $0x8000004E  }
0xb4: {  	_ =	swait.ge [sflag:s29], $0x1  }
0xb5: {  	[sflag:s29] =	ssyncadd.s32 $0xFFFFFFFF  }
0xb6: {  	_ =	strace $0x9000004E  }
0xb7: {  	_ =	sfence  }
0xb8: {  	s30 =	sld [smem:$0x0];
	_ =	sdelay $0x2  }
0xb9: {  	s31 =	sshll.u32 s1, $0xD;
	s1 =	sshrl.u32 s1, $0x2  }
0xba: {  	s3 =	sand.u32 $0x4000, s31;
	s1 =	sadd.s32 s1, s30  }
0xbb: {  	s0 =	sor.u32 s3, s0;
	s1 =	sshll.u32 s1, $0x11  }
0xbc: {  	s0 =	sor.u32 s1, s0  }
0xbd: {  	s0 =	sadd.s32 $0x8F2B, s0  }
0xbe: {  	[sflag:s0] =	ssyncadd.remote.s32 $0x1  }
0xbf: {  	_ =	sfence.sel $0xFFFF  }
0xc0: {  	[dreg:$0x0] =	wrdreg $0xFFFFFFFF;
	(pc) =	sbr.abs _section_cstart, $3  }
0xc1: {  	[dreg:$0x1] =	wrdreg $0xFFFFFFFF  }
0xc2: {  	_ =	task.clear_ibuf [dreg:s7], $0x2FFFF;
	_ =	strace $0x9FFFFFFF  }
0xc3: {  	(tm) =	ssettm $0x7FFFFFFF  }
tec
execute0_lowered:
.L_overlay_start_1:
0x0: {  	(tag) =	ssettag $0x1  }
0x1: {  	s9 =	rddreg [dreg:$0x0]  }
0x2: {  	s10 =	rddreg [dreg:$0x1]  }
0x3: {  	s2 =	rddreg [dreg:$0x2]  }
0x4: {  	s0 =	rddreg [dreg:$0x3];
	s4 =	srdreg.scid  }
0x5: {  	s1 =	stileid.u32;
	s3 =	simm.s32 $0x0;
	s16 =	simm.s32 $0x3E8  }
0x6: {  	s17 =	simm.s32 $0x7D0;
	s18 =	simm.s32 $0x46D0;
	s19 =	simm.s32 $0x85D0  }
0x7: {  	s20 =	simm.s32 $0x1;
	s21 =	simm.s32 $0x103D0;
	s11 =	sand.u32 $0x1, s4  }
0x8: {  	s12 =	smul.u32 $0x61C0, s1;
	[smem:$0x7FF] =	sst s3;
	s4 =	sadd.s32 $0x1CC00, s9  }
0x9: {  	s5 =	sadd.s32 $0x4400, s9;
	s6 =	sadd.s32 $0xF8A00, s9;
	s7 =	sadd.s32 $0x66200, s9  }
0xa: {  	s31 =	sshll.u32 s1, $0x6;
	s8 =	smul.u32 $0x61C00, s11;
	s14 =	ssub.s32 $0x2, s11  }
0xb: {  	_ =	strace $0x8000004D;
	s11 =	sshll.u32 s11, $0x4;
	s29 =	sshrl.u32 s14, $0x1  }
0xc: {  	s11 =	sor.u32 s1, s11;
	s30 =	sshrl.u32 s12, $0x3;
	s13 =	sadd.s32 s12, s8  }
0xd: {  	s15 =	sadd.s32 s12, s2;
	s8 =	sadd.s32 $0x35400, s9;
	s13 =	sshrl.u32 s13, $0x3  }
0xe: {  	s14 =	ssub.s32 s14, s29;
	s11 =	smul.u32 $0x61A8, s11;
	s13 =	sadd.s32 s13, s9  }
0xf: {  	s9 =	sadd.s32 s10, s30;
	s10 =	sor.u32 $0x1C02, s31;
	s12 =	sadd.s32 $0x7EA00, s13  }
0x10: {  	v0 =	vlaneseq.u32;
	s13 =	smax.u32 s14, $0x1;
	s14 =	sshrl.u32 s15, $0x3;
	s15 =	simm.s32 $0x2  }
.LBB2_1:
0x11: {  	[spmem:s14], [sflag:s10] =	dma.local [hbm:s9], $0xC38  }
0x12: {  	_ =	swait.ge [sflag:s15], $0xC38  }
0x13: {  	[sflag:s15] =	ssyncset.done $0x0  }
0x14: {  	[sflag:s15] =	ssyncadd.s32 $0xFFFFF3C8  }
0x15: {  	s22 =	simm.s32 $0x0;
	[bflag:$0x0] =	sbarrier.arrive $0xFFFF  }
.LBB2_2:
0x16: {  	s23 =	smul.u32 $0x3E8, s22;
	_ =	sdelay $0x1  }
0x17: {  	s24 =	sadd.s32 s11, s23  }
0x18: {  	s25 =	sshrl.u32 s24, $0x3  }
0x19: {  	s23 =	simm.s32 $0x0;
	s26 =	sadd.s32 s4, s25  }
0x1a: {  	[tilespmem:s23], [sflag:$0x2] =	stream.linear.gather [hbm4b:s26+s23], $0x3E8, $0x38;
	[tilespmem:$0x18510] =	vst v63  }
0x1b: {  	_ =	swait.ge [sflag:s15], $0x3E8  }
0x1c: {  	[sflag:s15] =	ssyncset.done $0x0  }
0x1d: {  	s25 =	sadd.s32 s5, s25;
	[sflag:s15] =	ssyncadd.s32 $0xFFFFFC18  }
0x1e: {  	[tilespmem:s16], [sflag:$0x2] =	stream.linear.gather [hbm4b:s25+s23], $0x3E8, $0x38;
	[tilespmem:$0x18510] =	vst v63  }
0x1f: {  	_ =	swait.ge [sflag:s15], $0x3E8  }
0x20: {  	s24 =	sshll.u32 s24, $0x1;
	[sflag:s15] =	ssyncset.done $0x0  }
0x21: {  	s24 =	sadd.s32 s6, s24;
	[sflag:s15] =	ssyncadd.s32 $0xFFFFFC18  }
0x22: {  	[tilespmem:s17], [sflag:$0x2] =	stream.linear.gather [hbm4b:s24+s23], $0x3E80, $0x38;
	[tilespmem:$0x18510] =	vst v63  }
0x23: {  	_ =	swait.ge [sflag:s15], $0x3E80  }
0x24: {  	[sflag:s15] =	ssyncset.done $0x0  }
0x25: {  	[sflag:s15] =	ssyncadd.s32 $0xFFFFC180  }
0x26: {  	[tilespmem:s18], [sflag:$0x1] =	stream.indirect.gather [hbm4b:s7+s16], $0x10, s16, s16, $0xb8;
	[tilespmem:$0x18510] =	vst v63  }
0x27: {  	_ = 	snop  }
0x28: {  	[tilespmem:s19], [sflag:$0x1] =	stream.indirect.gather [hbm4b:s8+s16], $0x20, s23, s16, $0xb8;
	[tilespmem:$0x18510] =	vst v63  }
0x29: {  	_ =	swait.ge [sflag:s20], $0x3E80  }
0x2a: {  	[sflag:s20] =	ssyncset.done $0x0  }
0x2b: {  	[sflag:s20] =	ssyncadd.s32 $0xFFFFC180  }
0x2c: {  	_ =	swait.ge [sflag:s20], $0x7D00  }
0x2d: {  	[sflag:s20] =	ssyncset.done $0x0  }
0x2e: {  	[sflag:s20] =	ssyncadd.s32 $0xFFFF8300  }
.LBB2_3:
0x2f: {  	v1 =	vor.u32 s23, v0  }
0x30: {  	v2 =	vshll.u32 v1, $0x4;
	_ =	sdelay $0x1  }
0x31: {  	v8 =	vshll.u32 v1, $0x5  }
0x32: {  	v3 =	vor.u32 $0x1, v2;
	_ =	sdelay $0x1  }
0x33: {  	v4 =	vor.u32 $0x2, v2;
	v5 =	vld.idx.msk [tilespmem:v2+s17+$0x0], $0xffff  }
0x34: {  	v6 =	vld.idx.msk [tilespmem:v2+s18+$0x0], $0xffff  }
0x35: {  	v10 =	vor.u32 $0x10, v8;
	v15 =	vld.idx.msk [tilespmem:v8+s19+$0x0], $0xffff  }
0x36: {  	v11 =	vor.u32 $0x4, v8;
	v7 =	vld.idx.msk [tilespmem:v3+s17+$0x0], $0xffff  }
0x37: {  	v13 =	vor.u32 $0x14, v8;
	v3 =	vld.idx.msk [tilespmem:v3+s18+$0x0], $0xffff  }
0x38: {  	v14 =	vor.u32 $0x8, v8;
	v9 =	vld.idx.msk [tilespmem:v4+s17+$0x0], $0xffff  }
0x39: {  	v2 =	vor.u32 $0x3, v2;
	v4 =	vld.idx.msk [tilespmem:v4+s18+$0x0], $0xffff  }
0x3a: {  	v10 =	vld.idx.msk [tilespmem:v10+s19+$0x0], $0xffff  }
0x3b: {  	v16 =	vor.u32 $0x18, v8;
	v11 =	vld.idx.msk [tilespmem:v11+s19+$0x0], $0xffff  }
0x3c: {  	v17 =	vor.u32 $0xC, v8;
	v13 =	vld.idx.msk [tilespmem:v13+s19+$0x0], $0xffff  }
0x3d: {  	v18 =	vor.u32 $0x1C, v8;
	v14 =	vld.idx.msk [tilespmem:v14+s19+$0x0], $0xffff  }
0x3e: {  	v12 =	vld.idx.msk [tilespmem:v2+s17+$0x0], $0xffff  }
0x3f: {  	v2 =	vld.idx.msk [tilespmem:v2+s18+$0x0], $0xffff  }
0x40: {  	v20 =	vld.idx.msk [tilespmem:v16+s19+$0x0], $0xffff;
	v5 =	vmul.f32 v6, v5;
	v3 =	vmul.f32 v3, v7  }
0x41: {  	v21 =	vld.idx.msk [tilespmem:v17+s19+$0x0], $0xffff;
	v4 =	vmul.f32 v4, v9  }
0x42: {  	v23 =	vld.idx.msk [tilespmem:v18+s19+$0x0], $0xffff;
	v22 =	vmul.f32 v15, v5;
	v11 =	vmul.f32 v11, v3  }
0x43: {  	v10 =	vmul.f32 v10, v5;
	v13 =	vmul.f32 v13, v3  }
0x44: {  	v24 =	vmul.f32 v14, v4;
	v2 =	vmul.f32 v2, v12;
	v9 =	vadd.f32 v11, v22  }
0x45: {  	v1 =	vshll.u32 v1, $0x3;
	v6 =	vmul.f32 v20, v4;
	v10 =	vadd.f32 v13, v10  }
0x46: {  	v25 =	vor.u32 $0x4, v1;
	v9 =	vadd.f32 v24, v9;
	v7 =	vmul.f32 v21, v2  }
0x47: {  	v27 =	vor.u32 $0x1, v8;
	v6 =	vadd.f32 v6, v10;
	v26 =	vmul.f32 v23, v2  }
0x48: {  	v28 =	vor.u32 $0x11, v8;
	v7 =	vadd.f32 v7, v9  }
0x49: {  	v29 =	vor.u32 $0x5, v8;
	v6 =	vadd.f32 v26, v6  }
0x4a: {  	v30 =	vor.u32 $0x15, v8;
	[tilespmem:v1+s21+$0x0] =	vst.idx.msk $0xffff, v7  }
0x4b: {  	v31 =	vor.u32 $0x9, v8;
	[tilespmem:v25+s21+$0x0] =	vst.idx.msk $0xffff, v6  }
0x4c: {  	v32 =	vor.u32 $0x19, v8;
	v11 =	vld.idx.msk [tilespmem:v27+s19+$0x0], $0xffff  }
0x4d: {  	v33 =	vor.u32 $0xD, v8;
	v9 =	vld.idx.msk [tilespmem:v28+s19+$0x0], $0xffff  }
0x4e: {  	v34 =	vor.u32 $0x1D, v8;
	v10 =	vld.idx.msk [tilespmem:v29+s19+$0x0], $0xffff  }
0x4f: {  	v7 =	vld.idx.msk [tilespmem:v30+s19+$0x0], $0xffff  }
0x50: {  	v6 =	vld.idx.msk [tilespmem:v31+s19+$0x0], $0xffff  }
0x51: {  	v12 =	vld.idx.msk [tilespmem:v32+s19+$0x0], $0xffff  }
0x52: {  	v13 =	vld.idx.msk [tilespmem:v33+s19+$0x0], $0xffff  }
0x53: {  	v14 =	vld.idx.msk [tilespmem:v34+s19+$0x0], $0xffff;
	v11 =	vmul.f32 v11, v5;
	v10 =	vmul.f32 v10, v3  }
0x54: {  	v9 =	vmul.f32 v9, v5;
	v7 =	vmul.f32 v7, v3  }
0x55: {  	v6 =	vmul.f32 v6, v4;
	v10 =	vadd.f32 v10, v11  }
0x56: {  	v36 =	vor.u32 $0x1, v1;
	v35 =	vmul.f32 v12, v4;
	v7 =	vadd.f32 v7, v9  }
0x57: {  	v38 =	vor.u32 $0x5, v1;
	v37 =	vmul.f32 v13, v2;
	v6 =	vadd.f32 v6, v10  }
0x58: {  	v40 =	vor.u32 $0x2, v8;
	v39 =	vmul.f32 v14, v2;
	v7 =	vadd.f32 v35, v7  }
0x59: {  	v41 =	vor.u32 $0x12, v8;
	v6 =	vadd.f32 v37, v6  }
0x5a: {  	v42 =	vor.u32 $0x6, v8;
	v7 =	vadd.f32 v39, v7  }
0x5b: {  	v43 =	vor.u32 $0x16, v8;
	[tilespmem:v36+s21+$0x0] =	vst.idx.msk $0xffff, v6  }
0x5c: {  	v44 =	vor.u32 $0xA, v8;
	[tilespmem:v38+s21+$0x0] =	vst.idx.msk $0xffff, v7  }
0x5d: {  	v45 =	vor.u32 $0x1A, v8;
	v11 =	vld.idx.msk [tilespmem:v40+s19+$0x0], $0xffff  }
0x5e: {  	v46 =	vor.u32 $0xE, v8;
	v10 =	vld.idx.msk [tilespmem:v41+s19+$0x0], $0xffff  }
0x5f: {  	v47 =	vor.u32 $0x1E, v8;
	v9 =	vld.idx.msk [tilespmem:v42+s19+$0x0], $0xffff  }
0x60: {  	v6 =	vld.idx.msk [tilespmem:v43+s19+$0x0], $0xffff  }
0x61: {  	v7 =	vld.idx.msk [tilespmem:v44+s19+$0x0], $0xffff  }
0x62: {  	v12 =	vld.idx.msk [tilespmem:v45+s19+$0x0], $0xffff  }
0x63: {  	v13 =	vld.idx.msk [tilespmem:v46+s19+$0x0], $0xffff  }
0x64: {  	v14 =	vld.idx.msk [tilespmem:v47+s19+$0x0], $0xffff;
	v11 =	vmul.f32 v11, v5;
	v9 =	vmul.f32 v9, v3  }
0x65: {  	v10 =	vmul.f32 v10, v5;
	v6 =	vmul.f32 v6, v3  }
0x66: {  	v7 =	vmul.f32 v7, v4;
	v9 =	vadd.f32 v9, v11  }
0x67: {  	v49 =	vor.u32 $0x2, v1;
	v48 =	vmul.f32 v12, v4;
	v6 =	vadd.f32 v6, v10  }
0x68: {  	v51 =	vor.u32 $0x6, v1;
	v50 =	vmul.f32 v13, v2;
	v7 =	vadd.f32 v7, v9  }
0x69: {  	v53 =	vor.u32 $0x3, v8;
	v52 =	vmul.f32 v14, v2;
	v6 =	vadd.f32 v48, v6  }
0x6a: {  	v54 =	vor.u32 $0x13, v8;
	v7 =	vadd.f32 v50, v7  }
0x6b: {  	v55 =	vor.u32 $0x7, v8;
	v6 =	vadd.f32 v52, v6  }
0x6c: {  	v56 =	vor.u32 $0x17, v8;
	[tilespmem:v49+s21+$0x0] =	vst.idx.msk $0xffff, v7  }
0x6d: {  	v57 =	vor.u32 $0xB, v8;
	[tilespmem:v51+s21+$0x0] =	vst.idx.msk $0xffff, v6  }
0x6e: {  	v58 =	vor.u32 $0x1B, v8;
	v11 =	vld.idx.msk [tilespmem:v53+s19+$0x0], $0xffff  }
0x6f: {  	v59 =	vor.u32 $0xF, v8;
	v9 =	vld.idx.msk [tilespmem:v54+s19+$0x0], $0xffff  }
0x70: {  	v8 =	vor.u32 $0x1F, v8;
	v10 =	vld.idx.msk [tilespmem:v55+s19+$0x0], $0xffff  }
0x71: {  	v7 =	vld.idx.msk [tilespmem:v56+s19+$0x0], $0xffff  }
0x72: {  	v6 =	vld.idx.msk [tilespmem:v57+s19+$0x0], $0xffff  }
0x73: {  	v12 =	vld.idx.msk [tilespmem:v58+s19+$0x0], $0xffff  }
0x74: {  	v13 =	vld.idx.msk [tilespmem:v59+s19+$0x0], $0xffff  }
0x75: {  	v8 =	vld.idx.msk [tilespmem:v8+s19+$0x0], $0xffff;
	v11 =	vmul.f32 v11, v5;
	v10 =	vmul.f32 v10, v3  }
0x76: {  	v5 =	vmul.f32 v9, v5;
	v3 =	vmul.f32 v7, v3  }
0x77: {  	v6 =	vmul.f32 v6, v4;
	v60 =	vadd.f32 v10, v11  }
0x78: {  	v61 =	vor.u32 $0x3, v1;
	v4 =	vmul.f32 v12, v4;
	v3 =	vadd.f32 v3, v5  }
0x79: {  	p0 =	sne.s32 s23, $0x3E0;
	v1 =	vor.u32 $0x7, v1;
	v62 =	vmul.f32 v13, v2;
	v6 =	vadd.f32 v6, v60  }
.Ltmp0:
0x7a: {  	v2 =	vmul.f32 v8, v2;
	v3 =	vadd.f32 v4, v3;
	(pc) =	sbr.rel @p0 .LBB2_3-.Ltmp0, $4  }
0x7b: {  	v63 =	vadd.f32 v62, v6  }
0x7c: {  	v2 =	vadd.f32 v2, v3  }
0x7d: {  	[tilespmem:v61+s21+$0x0] =	vst.idx.msk $0xffff, v63  }
0x7e: {  	s23 =	sadd.s32 $0x10, s23;
	[tilespmem:v1+s21+$0x0] =	vst.idx.msk $0xffff, v2  }
0x7f: {  	s22 =	sadd.s32 $0x1, s22  }
0x80: {  	p0 =	sne.s32 s22, $0x19  }
.Ltmp1:
0x81: {  	_ = 	snop;
	(pc) =	sbr.rel @p0 .LBB2_2-.Ltmp1, $4  }
0x82: {  	[spmem:s2] =	stream.indirect.scatter.add.f32 [tilespmem:s21], [sflag:$0x2], $0x8, s16, s16, $0xb8;
	[tilespmem:$0x18510] =	vst v63  }
0x83: {  	_ =	swait.ge [sflag:s15], $0x1F40  }
0x84: {  	[sflag:s15] =	ssyncset.done $0x0  }
0x85: {  	[sflag:s15] =	ssyncadd.s32 $0xFFFFE0C0  }
0x86: {  	s3 =	sadd.s32 $0x1, s3  }
0x87: {  	p0 =	sne.s32 s3, s13  }
.Ltmp2:
0x88: {  	[bflag:$0x0] =	sbarrier.arrive $0xFFFF;
	(pc) =	sbr.rel @p0 .LBB2_1-.Ltmp2, $4  }
0x89: {  	[hbm:s12], [sflag:s10] =	dma.local [spmem:s14], $0xC38  }
0x8a: {  	_ =	swait.ge [sflag:s15], $0xC38  }
0x8b: {  	[sflag:s15] =	ssyncset.done $0x0  }
0x8c: {  	[sflag:s15] =	ssyncadd.s32 $0xFFFFF3C8  }
0x8d: {  	_ =	sfence.sel $0x180000  }
0x8e: {  	[bflag:$0x0] =	sbarrier.arrive $0xFFFF  }
0x8f: {  	p0 =	sne.s32 s1, $0x0;
	_ =	strace $0x9000004D  }
0x90: {  	s0 =	sadd.s32 @!p0 $0x100000, s0;
	[bflag:$0x2] =	sbarrier.arrive $0xFFFF  }
0x91: {  	[sflag:s0] =	ssyncadd.tile.s32 @!p0 $0x1;
	_ =	shalt  }
.Lfunc_end2:
_tile_overlayer_lowered:
.L_overlay_start_2:
0x92: {  	(tag) =	ssettag $0x2  }
0x93: {  	s0 =	rddreg [dreg:$0x0];
	s2 =	stileid.u32  }
0x94: {  	s1 =	rddreg [dreg:$0x1];
	p0 =	sne.s32 s2, $0x0  }
0x95: {  	s3 =	rddreg [dreg:$0x2];
	[bflag:$0x3] =	sbarrier.arrive $0xFFFF;
	s2 =	simm.s32 @!p0 $0x1C02  }
0x96: {  	[timem:s3], [sflag:s2] =	dma.local @!p0 [hbm:s0], s1  }
0x97: {  	s0 =	simm.s32 @!p0 $0x2  }
0x98: {  	_ =	swait.ge @!p0 [sflag:s0], s1  }
0x99: {  	s1 =	ssub.s32 @!p0 $0x0, s1;
	[sflag:s0] =	ssyncset.done @!p0 $0x0  }
0x9a: {  	[sflag:s0] =	ssyncadd.s32 @!p0 s1  }
0x9b: {  	[bflag:$0x3] =	sbarrier.arrive $0xFFFF  }
0x9c: {  	_ =	shalt  }

// kernel: kernel.19.cloned.1.call-start
scs
__scs_entry_jumppad:
0x0: {  	(pc) =	sbr.rel $0x88, $3  }
0x1: {  	(tag) =	ssettag $0x0;
	lr =	simm.s32 $0x1  }
0x2: {  	[smem:$0x3F90] =	sst lr;
	_ =	strace $0xD0000000  }
0x3: {  	_ = 	snop  }
0x4: {  	_ = 	snop  }
0x5: {  	_ = 	snop  }
0x6: {  	_ = 	snop  }
0x7: {  	_ = 	snop  }
__scs_overlays_trampoline_lowered:
0x8: {  	[smem:$0x3F9F] =	sst s0  }
0x9: {  	[smem:$0x3FA0] =	sst s1  }
0xa: {  	[smem:$0x3FA1] =	sst s2  }
0xb: {  	[smem:$0x3FA2] =	sst s3  }
0xc: {  	[smem:$0x3FA3] =	sst s4  }
0xd: {  	[smem:$0x3FA4] =	sst s5  }
0xe: {  	[smem:$0x3FA5] =	sst s6  }
0xf: {  	[smem:$0x3FA6] =	sst s7  }
0x10: {  	[smem:$0x3FA7] =	sst s8  }
0x11: {  	[smem:$0x3FA8] =	sst s9;
	s0 =	simm.s32 @!p0 $0x0  }
0x12: {  	s1 =	sld [smem:$0x3F8E];
	s0 =	simm.s32 @p0 $0x1  }
0x13: {  	[smem:$0x3FA9] =	sst s0;
	s0 =	simm.s32 @!p1 $0x0  }
0x14: {  	s2 =	sld [smem:$0x3F8D];
	s0 =	simm.s32 @p1 $0x1  }
0x15: {  	[smem:$0x3FAA] =	sst s0;
	s0 =	simm.s32 @!p2 $0x0  }
0x16: {  	s3 =	sld [smem:$0x3FDB];
	s0 =	simm.s32 @p2 $0x1  }
0x17: {  	s4 =	simm.s32 $0x1BF5;
	[smem:$0x3FAC] =	sst s0  }
0x18: {  	s0 =	sld [smem:$0x3F8F];
	_ =	swait.ge [sflag:s4], $0x0  }
0x19: {  	s7 =	sld [smem:$0x3F90]  }
0x1a: {  	s8 =	sadd.s32 $0xFFFFE003, lr  }
0x1b: {  	s9 =	sadd.s32 $0xFFFFFEF7, lr;
	s5 =	simm.s32 $0xFFFFFFFF;
	p2 =	slt.u32 s8, $0xFFFFF086  }
0x1c: {  	p1 =	slt.u32 s9, $0xF7A;
	s5 =	simm.s32 @!p2 $0x0  }
0x1d: {  	s5 =	simm.s32 @p1 $0x1;
	p0 =	seq.s32 s7, s2  }
0x1e: {  	s7 =	smul.u32 @!p0 $0xF7A, s2;
	p2 =	seq.s32 @!p0 s5, $0x0  }
0x1f: {  	s9 =	smul.u32 $0xF7A, s1;
	s8 =	simm.s32 @!p0 $0x1BF5;
	p2 =	por !p2, p0  }
0x20: {  	[sflag:s8] =	ssyncset.s32 @!p0 $0xFFFFF086;
	s6 =	sadd.s32 @!p0 s3, s7;
	s7 =	simm.s32 @!p0 $0x108  }
0x21: {  	s3 =	sadd.s32 s3, s9;
	s6 =	sadd.s32 @!p0 $0x88, s6;
	s7 =	simm.s32 @p2 $0x1082  }
0x22: {  	[simem:s7], [sflag:s8] =	dma.local @!p0 [hbm:s6], $0xF7A  }
0x23: {  	s9 =	sor.u32 $0xD0000000, s2;
	s6 =	simm.s32 $0x108;
	_ =	swait.ge @!p0 [sflag:s8], $0x0  }
0x24: {  	s3 =	sadd.s32 $0x88, s3;
	s6 =	simm.s32 @!p1 $0x1082;
	[sflag:s4] =	ssyncset.s32 $0xFFFFF086  }
0x25: {  	[simem:s6], [sflag:s4] =	dma.local [hbm:s3], $0xF7A  }
0x26: {  	[smem:$0x3F90] =	sst s1;
	(tag) =	ssettag s2;
	_ =	strace s9  }
0x27: {  	s1 =	sld [smem:$0x3FA0]  }
0x28: {  	s2 =	sld [smem:$0x3FA1]  }
0x29: {  	s4 =	sld [smem:$0x3FA3]  }
0x2a: {  	p0 =	seq.s32 s5, $0x0;
	s5 =	sld [smem:$0x3FA4]  }
0x2b: {  	s6 =	sld [smem:$0x3FA5]  }
0x2c: {  	s7 =	sld [smem:$0x3FA6]  }
0x2d: {  	s3 =	simm.s32 $0x108;
	s8 =	sld [smem:$0x3FA7]  }
0x2e: {  	s3 =	simm.s32 @!p0 $0x1082;
	s9 =	sld [smem:$0x3FA8]  }
0x2f: {  	lr =	sadd.s32 s0, s3;
	s0 =	sld [smem:$0x3F9F]  }
0x30: {  	s3 =	sld [smem:$0x3FA2]  }
0x31: {  	[smem:$0x3FAB] =	sst s10  }
0x32: {  	s10 =	sld [smem:$0x3FA9];
	_ =	sdelay $0x3  }
0x33: {  	p0 =	seq.s32 s10, $0x1;
	s10 =	sld [smem:$0x3FAB];
	_ =	sdelay $0x3  }
0x34: {  	[smem:$0x3FAB] =	sst s10  }
0x35: {  	s10 =	sld [smem:$0x3FAA];
	_ =	sdelay $0x3  }
0x36: {  	p1 =	seq.s32 s10, $0x1;
	s10 =	sld [smem:$0x3FAB];
	_ =	sdelay $0x3  }
0x37: {  	[smem:$0x3FAB] =	sst s10  }
0x38: {  	s10 =	sld [smem:$0x3FAC]  }
0x39: {  	_ = 	snop;
	(pc) =	sbr.ind lr, $3  }
0x3a: {  	_ = 	snop  }
0x3b: {  	_ = 	snop  }
0x3c: {  	p2 =	seq.s32 s10, $0x1;
	s10 =	sld [smem:$0x3FAB]  }
0x3d: {  	_ =	shalt  }
0x3e: {  	_ =	shalt  }
0x3f: {  	_ =	shalt  }
0x40: {  	_ =	shalt  }
0x41: {  	_ =	shalt  }
0x42: {  	_ =	shalt  }
0x43: {  	_ =	shalt  }
0x44: {  	_ =	shalt  }
0x45: {  	_ =	shalt  }
0x46: {  	_ =	shalt  }
0x47: {  	_ =	shalt  }
0x48: {  	_ =	shalt  }
0x49: {  	_ =	shalt  }
0x4a: {  	_ =	shalt  }
0x4b: {  	_ =	shalt  }
0x4c: {  	_ =	shalt  }
0x4d: {  	_ =	shalt  }
0x4e: {  	_ =	shalt  }
0x4f: {  	_ =	shalt  }
0x50: {  	_ =	shalt  }
0x51: {  	_ =	shalt  }
0x52: {  	_ =	shalt  }
0x53: {  	_ =	shalt  }
0x54: {  	_ =	shalt  }
0x55: {  	_ =	shalt  }
0x56: {  	_ =	shalt  }
0x57: {  	_ =	shalt  }
0x58: {  	_ =	shalt  }
0x59: {  	_ =	shalt  }
0x5a: {  	_ =	shalt  }
0x5b: {  	_ =	shalt  }
0x5c: {  	_ =	shalt  }
0x5d: {  	_ =	shalt  }
0x5e: {  	_ =	shalt  }
0x5f: {  	_ =	shalt  }
0x60: {  	_ =	shalt  }
0x61: {  	_ =	shalt  }
0x62: {  	_ =	shalt  }
0x63: {  	_ =	shalt  }
0x64: {  	_ =	shalt  }
0x65: {  	_ =	shalt  }
0x66: {  	_ =	shalt  }
0x67: {  	_ =	shalt  }
0x68: {  	_ =	shalt  }
0x69: {  	_ =	shalt  }
0x6a: {  	_ =	shalt  }
0x6b: {  	_ =	shalt  }
0x6c: {  	_ =	shalt  }
0x6d: {  	_ =	shalt  }
0x6e: {  	_ =	shalt  }
0x6f: {  	_ =	shalt  }
0x70: {  	_ =	shalt  }
0x71: {  	_ =	shalt  }
0x72: {  	_ =	shalt  }
0x73: {  	_ =	shalt  }
0x74: {  	_ =	shalt  }
0x75: {  	_ =	shalt  }
0x76: {  	_ =	shalt  }
0x77: {  	_ =	shalt  }
0x78: {  	_ =	shalt  }
0x79: {  	_ =	shalt  }
0x7a: {  	_ =	shalt  }
0x7b: {  	_ =	shalt  }
0x7c: {  	_ =	shalt  }
0x7d: {  	_ =	shalt  }
0x7e: {  	_ =	shalt  }
0x7f: {  	_ =	shalt  }
0x80: {  	_ =	shalt  }
0x81: {  	_ =	shalt  }
0x82: {  	_ =	shalt  }
0x83: {  	_ =	shalt  }
0x84: {  	_ =	shalt  }
0x85: {  	_ =	shalt  }
0x86: {  	_ =	shalt  }
0x87: {  	_ =	shalt  }
.Lfunc_end0:
.L_simem_size_0:
called_computation.3_lowered:
.L_overlay_start_0:
0x88: {  	s2 =	sld [smem:$0x3FD9]  }
0x89: {  	s3 =	sld [smem:$0x3FFE];
	_ =	sdelay $0x1  }
0x8a: {  	s1 =	srdreg.scid  }
0x8b: {  	s0 =	sand.u32 $0x1, s1  }
0x8c: {  	s17 =	sshll.u32 s0, $0xA;
	s2 =	sadd.s32 s3, s2  }
0x8d: {  	s2 =	sadd.s32 s2, s17  }
0x8e: {  	[smem:$0x3FB7] =	sst s2  }
0x8f: {  	_ = 	snop  }
0x90: {  	s2 =	sld [smem:$0x3FD0];
	(tm) =	ssettm $0x1  }
0x91: {  	s18 =	sld [smem:$0x3FFB];
	_ =	sdelay $0x3  }
0x92: {  	_ =	strace s18  }
0x93: {  	s3 =	sld [smem:$0x3FFC];
	_ =	sdelay $0x3  }
0x94: {  	_ =	strace s3  }
0x95: {  	s3 =	sld [smem:$0x3FFD];
	_ =	sdelay $0x3  }
0x96: {  	_ =	strace s3  }
0x97: {  	_ =	strace $0x8FFFFFFF  }
0x98: {  	s19 =	sld [smem:$0x3FDB];
	_ =	sdelay $0x1  }
0x99: {  	s4 =	simm.s32 $_scs_section_size  }
0x9a: {  	s5 =	simm.s32 $_size__tile_overlayer_lowered;
	s6 =	simm.s32 $_tile_overlayer_lowered  }
0x9b: {  	s22 =	simm.s32 $0x1BFF;
	s21 =	sshll.u32 s6, $0x1;
	s3 =	sadd.s32 s4, s19  }
0x9c: {  	s7 =	simm.s32 $0x0;
	s20 =	sshll.u32 s5, $0x1;
	s5 =	sadd.s32 s21, s3  }
0x9d: {  	[timem:s7], [sflag:s22] =	dma.local [hbm:s5], s20  }
0x9e: {  	_ =	swait.ge [sflag:s22], s20  }
0x9f: {  	s4 =	ssub.s32 $0x0, s20;
	[sflag:s22] =	ssyncset.done $0x0  }
0xa0: {  	[sflag:s22] =	ssyncadd.s32 s4;
	_ =	sdelay $0x1  }
0xa1: {  	s23 =	simm.s32 $0x1B8B  }
0xa2: {  	_ =	swait.ge [sflag:s23], $0x1  }
0xa3: {  	[sflag:s23] =	ssyncset.done $0x0  }
0xa4: {  	s25 =	simm.s32 $0x1B8E;
	s24 =	sld [smem:$0x3FFE];
	[sflag:s23] =	ssyncadd.s32 $0xFFFFFFFF  }
0xa5: {  	s26 =	simm.s32 $execute0_lowered;
	[smem:$0x3FD2] =	sst s25  }
0xa6: {  	s5 =	sshll.u32 s26, $0x1;
	_ =	strace $0x8000004F;
	[dreg:$0x1] =	wrdreg $0xFFFFFFFF  }
0xa7: {  	s28 =	simm.s32 $_size_execute0_lowered;
	s3 =	sadd.s32 s3, s5;
	[dreg:$0x0] =	wrdreg $0x0  }
0xa8: {  	s5 =	sshll.u32 s28, $0x1;
	[dreg:$0x2] =	wrdreg s3  }
0xa9: {  	[dreg:$0x3] =	wrdreg s5  }
0xaa: {  	[dreg:$0x4] =	wrdreg $0xC0  }
0xab: {  	_ =	task [dreg:s7], $0x5FFFF  }
0xac: {  	[dreg:$0x1] =	wrdreg $0xFFFFFFFF  }
0xad: {  	[dreg:$0x0] =	wrdreg $0x60  }
0xae: {  	[dreg:$0x2] =	wrdreg s24  }
0xaf: {  	[dreg:$0x3] =	wrdreg s2  }
0xb0: {  	[dreg:$0x4] =	wrdreg $0x9  }
0xb1: {  	_ =	task.clear_ibuf [dreg:s7], $0x5FFFF;
	_ =	strace $0x9000004F  }
0xb2: {  	s29 =	simm.s32 $0x9;
	_ =	strace $0x80000051  }
0xb3: {  	_ =	swait.ge [sflag:s29], $0x1  }
0xb4: {  	[sflag:s29] =	ssyncadd.s32 $0xFFFFFFFF  }
0xb5: {  	_ =	strace $0x90000051  }
0xb6: {  	_ =	sfence  }
0xb7: {  	s30 =	sld [smem:$0x0];
	_ =	sdelay $0x2  }
0xb8: {  	s31 =	sshll.u32 s1, $0xD;
	s1 =	sshrl.u32 s1, $0x2  }
0xb9: {  	s3 =	sand.u32 $0x4000, s31;
	s1 =	sadd.s32 s1, s30  }
0xba: {  	s0 =	sor.u32 s3, s0;
	s1 =	sshll.u32 s1, $0x11  }
0xbb: {  	s0 =	sor.u32 s1, s0  }
0xbc: {  	s0 =	sadd.s32 $0x8F2B, s0  }
0xbd: {  	[sflag:s0] =	ssyncadd.remote.s32 $0x1  }
0xbe: {  	_ =	sfence.sel $0xFFFF  }
0xbf: {  	[dreg:$0x0] =	wrdreg $0xFFFFFFFF;
	(pc) =	sbr.abs _section_cstart, $3  }
0xc0: {  	[dreg:$0x1] =	wrdreg $0xFFFFFFFF  }
0xc1: {  	_ =	task.clear_ibuf [dreg:s7], $0x2FFFF;
	_ =	strace $0x9FFFFFFF  }
0xc2: {  	(tm) =	ssettm $0x7FFFFFFF  }
0xc3: {  	_ =	shalt  }
tec
execute0_lowered:
.L_overlay_start_1:
0x0: {  	(tag) =	ssettag $0x1  }
0x1: {  	s7 =	rddreg [dreg:$0x0]  }
0x2: {  	s1 =	rddreg [dreg:$0x1]  }
0x3: {  	s0 =	rddreg [dreg:$0x2];
	s2 =	simm.s32 $0x0;
	s3 =	srdreg.scid  }
0x4: {  	s11 =	simm.s32 $0x3E8;
	s12 =	simm.s32 $0x7D0;
	s13 =	simm.s32 $0x46D0  }
0x5: {  	s14 =	simm.s32 $0x6650;
	s15 =	simm.s32 $0x1;
	s16 =	simm.s32 $0x85D0  }
0x6: {  	s17 =	simm.s32 $0x0;
	s22 =	simm.s32 $0x0;
	[smem:$0x7FF] =	sst s2  }
0x7: {  	s4 =	sadd.s32 $0x1CC00, s7;
	s5 =	sadd.s32 $0x4400, s7;
	s6 =	sand.u32 $0x1, s3  }
0x8: {  	s3 =	stileid.u32;
	_ =	strace $0x80000050;
	s8 =	ssub.s32 $0x2, s6  }
0x9: {  	s9 =	sshll.u32 s6, $0x4;
	s6 =	sadd.s32 $0xF8A00, s7;
	s10 =	sshrl.u32 s8, $0x1  }
0xa: {  	v0 =	vlaneseq.u32;
	s7 =	sadd.s32 $0x35400, s7;
	s9 =	sor.u32 s3, s9;
	s10 =	ssub.s32 s8, s10  }
0xb: {  	v1 =	vor.u32 $0xFFFFFFF8, v0;
	s8 =	smul.u32 $0x61A8, s9;
	s9 =	smax.u32 s10, $0x1;
	s10 =	simm.s32 $0x2  }
.LBB2_1:
0xc: {  	s18 =	simm.s32 $0x0  }
.LBB2_2:
0xd: {  	s19 =	smul.u32 $0x3E8, s18;
	_ =	sdelay $0x1  }
0xe: {  	s20 =	sadd.s32 s8, s19  }
0xf: {  	s19 =	sshrl.u32 s20, $0x3  }
0x10: {  	s21 =	sadd.s32 s4, s19  }
0x11: {  	[tilespmem:s22], [sflag:$0x2] =	stream.linear.gather [hbm4b:s21+s22], $0x3E8, $0x38;
	[tilespmem:$0x89C0] =	vst v63  }
0x12: {  	_ =	swait.ge [sflag:s10], $0x3E8  }
0x13: {  	[sflag:s10] =	ssyncset.done $0x0  }
0x14: {  	s30 =	sadd.s32 s5, s19;
	[sflag:s10] =	ssyncadd.s32 $0xFFFFFC18  }
0x15: {  	[tilespmem:s11], [sflag:$0x2] =	stream.linear.gather [hbm4b:s30+s22], $0x3E8, $0x38;
	[tilespmem:$0x89C0] =	vst v63  }
0x16: {  	_ =	swait.ge [sflag:s10], $0x3E8  }
0x17: {  	s20 =	sshll.u32 s20, $0x1;
	[sflag:s10] =	ssyncset.done $0x0  }
0x18: {  	s20 =	sadd.s32 s6, s20;
	[sflag:s10] =	ssyncadd.s32 $0xFFFFFC18  }
0x19: {  	[tilespmem:s12], [sflag:$0x2] =	stream.linear.gather [hbm4b:s20+s22], $0x3E80, $0x38;
	[tilespmem:$0x89C0] =	vst v63  }
0x1a: {  	_ =	swait.ge [sflag:s10], $0x3E80  }
0x1b: {  	[sflag:s10] =	ssyncset.done $0x0  }
0x1c: {  	[sflag:s10] =	ssyncadd.s32 $0xFFFFC180  }
0x1d: {  	[tilespmem:s13], [sflag:$0x1] =	stream.indirect.gather [hbm4b:s1+s11], $0x8, s22, s11, $0xb8;
	[tilespmem:$0x89C0] =	vst v63  }
0x1e: {  	_ = 	snop  }
0x1f: {  	v3 =	vor.u32 s22, v0;
	[tilespmem:s14], [sflag:$0x1] =	stream.indirect.gather [hbm4b:s1+s11], $0x8, s11, s11, $0xb8;
	[tilespmem:$0x89C0] =	vst v63  }
0x20: {  	v2 =	vshll.u32 v3, $0x3;
	_ =	swait.ge [sflag:s15], $0x1F40  }
0x21: {  	v4 =	vshll.u32 v3, $0x4;
	v5 =	vor.u32 $0x7, v2;
	[sflag:s15] =	ssyncset.done $0x0  }
0x22: {  	v6 =	vor.u32 $0x5, v4;
	[sflag:s15] =	ssyncadd.s32 $0xFFFFE0C0  }
0x23: {  	v7 =	vor.u32 $0x4, v4;
	_ =	swait.ge [sflag:s15], $0x1F40  }
0x24: {  	v8 =	vor.u32 $0x4, v2;
	[sflag:s15] =	ssyncset.done $0x0  }
0x25: {  	[sflag:s15] =	ssyncadd.s32 $0xFFFFE0C0  }
0x26: {  	v9 =	vor.u32 $0x5, v2;
	v5 =	vld.idx.msk [tilespmem:v5+s14+$0x0], $0xffff  }
0x27: {  	v10 =	vor.u32 $0x1, v2;
	v6 =	vld.idx.msk [tilespmem:v6+s12+$0x0], $0xffff  }
0x28: {  	v11 =	vor.u32 $0x6, v2;
	v7 =	vld.idx.msk [tilespmem:v7+s12+$0x0], $0xffff  }
0x29: {  	v12 =	vor.u32 $0x2, v2;
	v8 =	vld.idx.msk [tilespmem:v8+s14+$0x0], $0xffff  }
0x2a: {  	v13 =	vld.idx.msk [tilespmem:v2+s13+$0x0], $0xffff;
	v2 =	vor.u32 $0x3, v2  }
0x2b: {  	v14 =	vor.u32 $0x6, v4;
	v9 =	vld.idx.msk [tilespmem:v9+s14+$0x0], $0xffff  }
0x2c: {  	v10 =	vld.idx.msk [tilespmem:v10+s13+$0x0], $0xffff  }
0x2d: {  	v4 =	vor.u32 $0x7, v4;
	v11 =	vld.idx.msk [tilespmem:v11+s14+$0x0], $0xffff  }
0x2e: {  	v12 =	vld.idx.msk [tilespmem:v12+s13+$0x0], $0xffff  }
0x2f: {  	v2 =	vld.idx.msk [tilespmem:v2+s13+$0x0], $0xffff;
	v8 =	vadd.f32 v8, v13  }
0x30: {  	v63 =	vld.idx.msk [tilespmem:v14+s12+$0x0], $0xffff  }
0x31: {  	v7 =	vadd.f32 v7, v8;
	v8 =	vadd.f32 v9, v10  }
0x32: {  	v4 =	vld.idx.msk [tilespmem:v4+s12+$0x0], $0xffff  }
0x33: {  	v9 =	vmin.f32 v7, $0.0e+00;
	v6 =	vadd.f32 v6, v8;
	v8 =	vadd.f32 v11, v12  }
0x34: {  	v9 =	vmul.f32 $9.999999770e-03, v9;
	v2 =	vadd.f32 v5, v2  }
0x35: {  	v5 =	vmax.f32 v7, $0.0e+00;
	v7 =	vmin.f32 v6, $0.0e+00;
	v8 =	vadd.f32 v63, v8  }
0x36: {  	v5 =	vadd.f32 v9, v5;
	v7 =	vmul.f32 $9.999999770e-03, v7  }
0x37: {  	v6 =	vmax.f32 v6, $0.0e+00;
	v4 =	vadd.f32 v4, v2;
	v9 =	vmin.f32 v8, $0.0e+00  }
0x38: {  	v2 =	vadd.f32 $0.0e+00, v5;
	v5 =	vadd.f32 v7, v6;
	v6 =	vmul.f32 $9.999999770e-03, v9  }
0x39: {  	v7 =	vmax.f32 v8, $0.0e+00  }
0x3a: {  	s31 =	simm.s32 $0x10;
	v8 =	vmin.f32 v4, $0.0e+00;
	v5 =	vadd.f32 v5, v2;
	v6 =	vadd.f32 v6, v7  }
0x3b: {  	v7 =	vmul.f32 $9.999999770e-03, v8;
	v2 =	vor.u32 s31, v0;
	v8 =	vmax.f32 v4, $0.0e+00  }
0x3c: {  	v4 =	vshll.u32 v2, $0x3;
	v9 =	vadd.f32 v6, v5;
	v5 =	vand.u32 v1, v3  }
0x3d: {  	v10 =	vadd.f32 v7, v8;
	v3 =	vshll.u32 v2, $0x4;
	v6 =	vor.u32 $0x7, v4  }
0x3e: {  	v7 =	vor.u32 $0x5, v3  }
0x3f: {  	s20 =	simm.s32 $0x20;
	v8 =	vor.u32 $0x4, v3;
	v9 =	vadd.f32 v10, v9  }
.LBB2_3:
0x40: {  	p0 =	sne.s32 s20, $0x3E0;
	v10 =	vor.u32 $0x4, v4  }
0x41: {  	[tilespmem:v5+s16+$0x0] =	vst.idx.msk $0xffff, v9  }
0x42: {  	v5 =	vor.u32 $0x5, v4;
	v6 =	vld.idx.msk [tilespmem:v6+s14+$0x0], $0xffff  }
0x43: {  	v9 =	vor.u32 $0x1, v4;
	v7 =	vld.idx.msk [tilespmem:v7+s12+$0x0], $0xffff  }
0x44: {  	v11 =	vor.u32 $0x6, v4;
	v8 =	vld.idx.msk [tilespmem:v8+s12+$0x0], $0xffff  }
0x45: {  	v12 =	vor.u32 $0x2, v4;
	v10 =	vld.idx.msk [tilespmem:v10+s14+$0x0], $0xffff  }
0x46: {  	v13 =	vld.idx.msk [tilespmem:v4+s13+$0x0], $0xffff;
	v4 =	vor.u32 $0x3, v4  }
0x47: {  	v14 =	vor.u32 $0x6, v3;
	v5 =	vld.idx.msk [tilespmem:v5+s14+$0x0], $0xffff  }
0x48: {  	v9 =	vld.idx.msk [tilespmem:v9+s13+$0x0], $0xffff  }
0x49: {  	v3 =	vor.u32 $0x7, v3;
	v11 =	vld.idx.msk [tilespmem:v11+s14+$0x0], $0xffff  }
0x4a: {  	v12 =	vld.idx.msk [tilespmem:v12+s13+$0x0], $0xffff  }
0x4b: {  	v4 =	vld.idx.msk [tilespmem:v4+s13+$0x0], $0xffff  }
0x4c: {  	v10 =	vadd.f32 v10, v13;
	v13 =	vld.idx.msk [tilespmem:v14+s12+$0x0], $0xffff;
	_ =	sdelay $0x1  }
0x4d: {  	v8 =	vadd.f32 v8, v10;
	v5 =	vadd.f32 v5, v9;
	v3 =	vld.idx.msk [tilespmem:v3+s12+$0x0], $0xffff;
	_ =	sdelay $0x1  }
0x4e: {  	v9 =	vmin.f32 v8, $0.0e+00;
	v5 =	vadd.f32 v7, v5;
	v7 =	vadd.f32 v11, v12  }
0x4f: {  	v9 =	vmul.f32 $9.999999770e-03, v9;
	v4 =	vadd.f32 v6, v4  }
0x50: {  	v6 =	vmax.f32 v8, $0.0e+00;
	v8 =	vmin.f32 v5, $0.0e+00;
	v7 =	vadd.f32 v13, v7  }
0x51: {  	v10 =	vor.u32 s20, v0;
	v6 =	vadd.f32 v9, v6;
	v8 =	vmul.f32 $9.999999770e-03, v8  }
0x52: {  	v5 =	vmax.f32 v5, $0.0e+00;
	v9 =	vmin.f32 v7, $0.0e+00;
	v11 =	vadd.f32 v3, v4  }
0x53: {  	v3 =	vadd.f32 $0.0e+00, v6;
	v4 =	vadd.f32 v8, v5;
	v6 =	vmul.f32 $9.999999770e-03, v9  }
0x54: {  	v7 =	vmax.f32 v7, $0.0e+00;
	v5 =	vand.u32 v1, v2;
	v2 =	vmovc v10;
	v8 =	vmin.f32 v11, $0.0e+00  }
.Ltmp0:
0x55: {  	v9 =	vadd.f32 v4, v3;
	v7 =	vadd.f32 v6, v7;
	v8 =	vmul.f32 $9.999999770e-03, v8;
	(pc) =	sbr.rel @p0 .LBB2_3-.Ltmp0, $4  }
0x56: {  	v10 =	vmax.f32 v11, $0.0e+00;
	v4 =	vshll.u32 v2, $0x3;
	v3 =	vshll.u32 v2, $0x4  }
0x57: {  	v6 =	vor.u32 $0x7, v4;
	v9 =	vadd.f32 v7, v9;
	v10 =	vadd.f32 v8, v10  }
0x58: {  	v7 =	vor.u32 $0x5, v3  }
0x59: {  	s20 =	sadd.s32 $0x10, s20;
	v8 =	vor.u32 $0x4, v3;
	v9 =	vadd.f32 v10, v9  }
0x5a: {  	_ =	sdelay $0x3  }
0x5b: {  	v10 =	vor.u32 $0x4, v4;
	[tilespmem:v5+s16+$0x0] =	vst.idx.msk $0xffff, v9  }
0x5c: {  	v50 =	vor.u32 $0x5, v4;
	v6 =	vld.idx.msk [tilespmem:v6+s14+$0x0], $0xffff  }
0x5d: {  	v51 =	vor.u32 $0x1, v4;
	v7 =	vld.idx.msk [tilespmem:v7+s12+$0x0], $0xffff  }
0x5e: {  	v11 =	vor.u32 $0x6, v4;
	v8 =	vld.idx.msk [tilespmem:v8+s12+$0x0], $0xffff  }
0x5f: {  	v12 =	vor.u32 $0x2, v4;
	v13 =	vld.idx.msk [tilespmem:v4+s13+$0x0], $0xffff  }
0x60: {  	v52 =	vor.u32 $0x3, v4;
	v10 =	vld.idx.msk [tilespmem:v10+s14+$0x0], $0xffff  }
0x61: {  	v14 =	vor.u32 $0x6, v3;
	v5 =	vld.idx.msk [tilespmem:v50+s14+$0x0], $0xffff  }
0x62: {  	v9 =	vld.idx.msk [tilespmem:v51+s13+$0x0], $0xffff  }
0x63: {  	v3 =	vor.u32 $0x7, v3;
	v11 =	vld.idx.msk [tilespmem:v11+s14+$0x0], $0xffff  }
0x64: {  	v12 =	vld.idx.msk [tilespmem:v12+s13+$0x0], $0xffff  }
0x65: {  	v4 =	vld.idx.msk [tilespmem:v52+s13+$0x0], $0xffff;
	v10 =	vadd.f32 v10, v13  }
0x66: {  	v53 =	vld.idx.msk [tilespmem:v14+s12+$0x0], $0xffff  }
0x67: {  	v5 =	vadd.f32 v5, v9;
	v8 =	vadd.f32 v8, v10  }
0x68: {  	v3 =	vld.idx.msk [tilespmem:v3+s12+$0x0], $0xffff  }
0x69: {  	v55 =	vadd.f32 v11, v12;
	v5 =	vadd.f32 v7, v5;
	v54 =	vmin.f32 v8, $0.0e+00  }
0x6a: {  	v4 =	vadd.f32 v6, v4;
	v9 =	vmul.f32 $9.999999770e-03, v54  }
0x6b: {  	v7 =	vadd.f32 v53, v55;
	v56 =	vmax.f32 v8, $0.0e+00;
	v57 =	vmin.f32 v5, $0.0e+00  }
0x6c: {  	v8 =	vmul.f32 $9.999999770e-03, v57;
	v6 =	vadd.f32 v9, v56  }
0x6d: {  	v3 =	vadd.f32 v3, v4;
	v5 =	vmax.f32 v5, $0.0e+00;
	v58 =	vmin.f32 v7, $0.0e+00  }
0x6e: {  	v60 =	vmul.f32 $9.999999770e-03, v58;
	v5 =	vadd.f32 v8, v5;
	v59 =	vadd.f32 $0.0e+00, v6  }
0x6f: {  	v7 =	vmax.f32 v7, $0.0e+00;
	v61 =	vmin.f32 v3, $0.0e+00  }
0x70: {  	v63 =	vmul.f32 $9.999999770e-03, v61;
	v62 =	vadd.f32 v60, v7;
	v4 =	vadd.f32 v5, v59  }
0x71: {  	v2 =	vand.u32 v1, v2;
	v3 =	vmax.f32 v3, $0.0e+00  }
0x72: {  	v3 =	vadd.f32 v63, v3;
	v4 =	vadd.f32 v62, v4;
	_ =	sdelay $0x1  }
0x73: {  	s18 =	sadd.s32 $0x1, s18;
	v3 =	vadd.f32 v3, v4  }
0x74: {  	p0 =	sne.s32 s18, $0x19  }
.Ltmp1:
0x75: {  	s19 =	sadd.s32 s7, s19;
	[tilespmem:v2+s16+$0x0] =	vst.idx.msk $0xffff, v3;
	(pc) =	sbr.rel @p0 .LBB2_2-.Ltmp1, $4  }
0x76: {  	[hbm4b:s19+s2] =	stream.linear.scatter [tilespmem:s16], [sflag:$0x2], $0x3E8, $0x38;
	[tilespmem:$0x89C0] =	vst v63  }
0x77: {  	_ =	swait.ge [sflag:s10], $0x3E8  }
0x78: {  	[sflag:s10] =	ssyncset.done $0x0  }
0x79: {  	[sflag:s10] =	ssyncadd.s32 $0xFFFFFC18  }
0x7a: {  	s17 =	sadd.s32 $0x1, s17  }
0x7b: {  	p0 =	sne.s32 s17, s9  }
.Ltmp2:
0x7c: {  	_ = 	snop;
	(pc) =	sbr.rel @p0 .LBB2_1-.Ltmp2, $1  }
0x7d: {  	_ =	sdelay $0x3  }
0x7e: {  	_ =	sfence.sel $0x180000  }
0x7f: {  	[bflag:$0x0] =	sbarrier.arrive $0xFFFF  }
0x80: {  	p0 =	sne.s32 s3, $0x0;
	_ =	strace $0x90000050  }
0x81: {  	s0 =	sadd.s32 @!p0 $0x100000, s0;
	[bflag:$0x2] =	sbarrier.arrive $0xFFFF  }
0x82: {  	[sflag:s0] =	ssyncadd.tile.s32 @!p0 $0x1;
	_ =	shalt  }
.Lfunc_end2:
_tile_overlayer_lowered:
.L_overlay_start_2:
0x83: {  	(tag) =	ssettag $0x2  }
0x84: {  	s0 =	rddreg [dreg:$0x0];
	s2 =	stileid.u32  }
0x85: {  	s1 =	rddreg [dreg:$0x1];
	p0 =	sne.s32 s2, $0x0  }
0x86: {  	s3 =	rddreg [dreg:$0x2];
	[bflag:$0x3] =	sbarrier.arrive $0xFFFF;
	s2 =	simm.s32 @!p0 $0x1C02  }
0x87: {  	[timem:s3], [sflag:s2] =	dma.local @!p0 [hbm:s0], s1  }
0x88: {  	s0 =	simm.s32 @!p0 $0x2  }
0x89: {  	_ =	swait.ge @!p0 [sflag:s0], s1  }
0x8a: {  	s1 =	ssub.s32 @!p0 $0x0, s1;
	[sflag:s0] =	ssyncset.done @!p0 $0x0  }
0x8b: {  	[sflag:s0] =	ssyncadd.s32 @!p0 s1  }
0x8c: {  	[bflag:$0x3] =	sbarrier.arrive $0xFFFF  }
0x8d: {  	_ =	shalt  }

</sc_bundles>
